<compile_context>
chip_gen: v7x
topology: tpu7x:2x2x1
jax: 0.10.2.dev20260603
libtpu: 0.0.44.dev20260713+nightly
codegen_flags: <defaults>
</compile_context>

<pallas_src>
import functools

import jax
import jax.numpy as jnp
from jax.experimental import pallas as pl
from jax.experimental.pallas import tpu as pltpu
from jax.experimental.pallas import tpu_sc as plsc

T = 4096
D = 1024
E = 16
K = 2
DFF = 512
NSH = 2

BT = 512
NB = (T * K) // BT + E
NPAD = NB * BT
BB = 512

NC = 2
NS = 16
NW = NC * NS
A = K * T
APW = A // NW
C = 32
CH = APW // C


def _route_kernel(h_ref, gw_ref, w01_ref, rr_ref, blkmap_ref):
    x32 = h_ref[...]
    logits = jnp.dot(x32, gw_ref[...].T, preferred_element_type=jnp.float32)
    m = jnp.max(logits, axis=1, keepdims=True)
    ex = jnp.exp(logits - m)
    s = ex / jnp.sum(ex, axis=1, keepdims=True)
    iota = jax.lax.broadcasted_iota(jnp.int32, (T, E), 1)
    e1 = jnp.argmax(s, axis=1)
    m1 = iota == e1[:, None]
    e2 = jnp.argmax(jnp.where(m1, -jnp.inf, s), axis=1)
    m2 = iota == e2[:, None]
    w0 = jnp.sum(jnp.where(m1, s, 0.0), axis=1, keepdims=True)
    w1 = jnp.sum(jnp.where(m2, s, 0.0), axis=1, keepdims=True)
    w01_ref[...] = jnp.concatenate([w0, w1], axis=1)

    oh0 = m1.astype(jnp.int32)
    oh1 = m2.astype(jnp.int32)
    both = oh0 + oh1
    c = both
    for k in range(12):
        sh = 1 << k
        c = c + jnp.concatenate(
            [jnp.zeros((sh, E), jnp.int32), c[: T - sh]], axis=0)
    prior = c - both
    totals = jnp.sum(both, axis=0, keepdims=True)
    padded = ((totals + BT - 1) // BT) * BT
    ir = jax.lax.broadcasted_iota(jnp.int32, (E, E), 0)
    ic = jax.lax.broadcasted_iota(jnp.int32, (E, E), 1)
    tri = (ir < ic).astype(jnp.float32)
    base = jnp.dot(padded.astype(jnp.float32), tri,
                   preferred_element_type=jnp.float32).astype(jnp.int32)
    ends = base + padded

    rank0 = jnp.sum(prior * oh0, axis=1, keepdims=True)
    rank1 = jnp.sum(prior * oh1, axis=1, keepdims=True)
    base0 = jnp.sum(base * oh0, axis=1, keepdims=True)
    base1 = jnp.sum(base * oh1, axis=1, keepdims=True)
    rr_ref[...] = jnp.concatenate([rank0 + base0, rank1 + base1], axis=1)

    blk_start = jax.lax.broadcasted_iota(jnp.int32, (NB, 1), 0) * BT
    blkmap_ref[...] = jnp.sum((blk_start >= ends).astype(jnp.int32), axis=1,
                              keepdims=True)


def _shared_kernel(x_ref, swg_ref, swu_ref, swd_ref, o_ref,
                   swg16, swu16, swd16):
    @pl.when(pl.program_id(0) == 0)
    def _cast():
        swg16[...] = swg_ref[...].astype(jnp.bfloat16)
        swu16[...] = swu_ref[...].astype(jnp.bfloat16)
        swd16[...] = swd_ref[...].astype(jnp.bfloat16)

    x = x_ref[...].astype(jnp.bfloat16)
    g = jnp.dot(x, swg16[...], preferred_element_type=jnp.float32)
    u = jnp.dot(x, swu16[...], preferred_element_type=jnp.float32)
    a = (jax.nn.silu(g) * u).astype(jnp.bfloat16)
    o_ref[...] = jnp.dot(a, swd16[...], preferred_element_type=jnp.float32)


def _group_mlp_kernel(blkmap_ref, x_ref, wg_ref, wu_ref, wd_ref, o_ref,
                      wg16, wu16, wd16):
    i = pl.program_id(0)
    eid = blkmap_ref[i]
    prev = blkmap_ref[jnp.maximum(i - 1, 0)]
    changed = jnp.logical_or(i == 0, eid != prev)

    @pl.when(jnp.logical_and(changed, eid < E))
    def _cast():
        wg16[...] = wg_ref[0].astype(jnp.bfloat16)
        wu16[...] = wu_ref[0].astype(jnp.bfloat16)
        wd16[...] = wd_ref[0].astype(jnp.bfloat16)

    @pl.when(eid < E)
    def _():
        x = x_ref[...].astype(jnp.bfloat16)
        g = jnp.dot(x, wg16[...], preferred_element_type=jnp.float32)
        u = jnp.dot(x, wu16[...], preferred_element_type=jnp.float32)
        a = (jax.nn.silu(g) * u).astype(jnp.bfloat16)
        o_ref[...] = jnp.dot(a, wd16[...], preferred_element_type=jnp.float32)


def _combine_kernel(ysh_ref, g0_ref, g1_ref, w01_ref, o_ref):
    w0 = w01_ref[:, 0:1]
    w1 = w01_ref[:, 1:2]
    o_ref[...] = ysh_ref[...] + w0 * g0_ref[...] + w1 * g1_ref[...]


def _vector_mesh():
    return plsc.VectorSubcoreMesh(core_axis_name="core",
                                  subcore_axis_name="subcore")


def _sc_dispatch(h, r3):

    @functools.partial(
        pl.kernel,
        out_type=jax.ShapeDtypeStruct((NPAD, D), jnp.float32),
        mesh=_vector_mesh(),
        scratch_types=[
            pltpu.VMEM((CH, C), jnp.int32),
            pltpu.VMEM((C, D), jnp.float32),
            pltpu.SemaphoreType.DMA,
        ])
    def disp(h_hbm, r_hbm, xs_hbm, idx_v, rows_v, sem):
        wid = jax.lax.axis_index("subcore") * NC + jax.lax.axis_index("core")
        pltpu.sync_copy(r_hbm.at[wid], idx_v)
        base = wid * APW

        @pl.loop(0, CH)
        def _(j):
            tok = jax.lax.rem(base + j * C, T)
            pltpu.sync_copy(h_hbm.at[pl.ds(tok, C)], rows_v)
            pltpu.async_copy(rows_v, xs_hbm.at[idx_v.at[j]], sem).wait()

    return disp(h, r3)


def _sc_collect(out_sorted, r3):

    @functools.partial(
        pl.kernel,
        out_type=jax.ShapeDtypeStruct((A, D), jnp.float32),
        mesh=_vector_mesh(),
        scratch_types=[
            pltpu.VMEM((CH, C), jnp.int32),
            pltpu.VMEM((C, D), jnp.float32),
            pltpu.SemaphoreType.DMA,
        ])
    def coll(os_hbm, r_hbm, g_hbm, idx_v, rows_v, sem):
        wid = jax.lax.axis_index("subcore") * NC + jax.lax.axis_index("core")
        pltpu.sync_copy(r_hbm.at[wid], idx_v)
        base = wid * APW

        @pl.loop(0, CH)
        def _(j):
            pltpu.async_copy(os_hbm.at[idx_v.at[j]], rows_v, sem).wait()
            pltpu.sync_copy(rows_v, g_hbm.at[pl.ds(base + j * C, C)])

    return coll(out_sorted, r3)


def kernel(h, gate_w, Wg, Wu, Wd, sWg, sWu, sWd):
    w01, rr, blkmap = pl.pallas_call(
        _route_kernel,
        in_specs=[
            pl.BlockSpec((T, D), lambda: (0, 0)),
            pl.BlockSpec((E, D), lambda: (0, 0)),
        ],
        out_specs=[
            pl.BlockSpec((T, K), lambda: (0, 0)),
            pl.BlockSpec((T, K), lambda: (0, 0)),
            pl.BlockSpec((NB, 1), lambda: (0, 0)),
        ],
        out_shape=[
            jax.ShapeDtypeStruct((T, K), jnp.float32),
            jax.ShapeDtypeStruct((T, K), jnp.int32),
            jax.ShapeDtypeStruct((NB, 1), jnp.int32),
        ],
    )(h, gate_w)

    r3 = rr.T.reshape(NW, CH, C)
    blkmap_flat = blkmap.reshape(NB)

    x_sorted = _sc_dispatch(h, r3)

    ysh = pl.pallas_call(
        _shared_kernel,
        grid=(T // BB,),
        in_specs=[
            pl.BlockSpec((BB, D), lambda t: (t, 0)),
            pl.BlockSpec((D, NSH * DFF), lambda t: (0, 0)),
            pl.BlockSpec((D, NSH * DFF), lambda t: (0, 0)),
            pl.BlockSpec((NSH * DFF, D), lambda t: (0, 0)),
        ],
        out_specs=pl.BlockSpec((BB, D), lambda t: (t, 0)),
        out_shape=jax.ShapeDtypeStruct((T, D), jnp.float32),
        scratch_shapes=[
            pltpu.VMEM((D, NSH * DFF), jnp.bfloat16),
            pltpu.VMEM((D, NSH * DFF), jnp.bfloat16),
            pltpu.VMEM((NSH * DFF, D), jnp.bfloat16),
        ],
    )(h, sWg, sWu, sWd)

    grid_spec = pltpu.PrefetchScalarGridSpec(
        num_scalar_prefetch=1,
        grid=(NB,),
        in_specs=[
            pl.BlockSpec((BT, D), lambda i, bm: (i, 0)),
            pl.BlockSpec((1, D, DFF),
                         lambda i, bm: (jnp.minimum(bm[i], E - 1), 0, 0)),
            pl.BlockSpec((1, D, DFF),
                         lambda i, bm: (jnp.minimum(bm[i], E - 1), 0, 0)),
            pl.BlockSpec((1, DFF, D),
                         lambda i, bm: (jnp.minimum(bm[i], E - 1), 0, 0)),
        ],
        out_specs=pl.BlockSpec((BT, D), lambda i, bm: (i, 0)),
        scratch_shapes=[
            pltpu.VMEM((D, DFF), jnp.bfloat16),
            pltpu.VMEM((D, DFF), jnp.bfloat16),
            pltpu.VMEM((DFF, D), jnp.bfloat16),
        ],
    )
    out_sorted = pl.pallas_call(
        _group_mlp_kernel,
        grid_spec=grid_spec,
        out_shape=jax.ShapeDtypeStruct((NPAD, D), jnp.float32),
    )(blkmap_flat, x_sorted, Wg, Wu, Wd)

    g = _sc_collect(out_sorted, r3)

    nt = T // BB
    y = pl.pallas_call(
        _combine_kernel,
        grid=(nt,),
        in_specs=[
            pl.BlockSpec((BB, D), lambda t: (t, 0)),
            pl.BlockSpec((BB, D), lambda t: (t, 0)),
            pl.BlockSpec((BB, D), lambda t: (t + nt, 0)),
            pl.BlockSpec((BB, K), lambda t: (t, 0)),
        ],
        out_specs=pl.BlockSpec((BB, D), lambda t: (t, 0)),
        out_shape=jax.ShapeDtypeStruct((T, D), jnp.float32),
    )(ysh, g, g, w01)
    return y

# --- scband reference (transcript-rebuilt; emitter-appended) ---
"""Pipeline reference for scband-deepseek-v2-mo-e-72138270703855 (READ-ONLY COPY).

The authoritative reference and input builder live on the scoring server;
editing this copy changes nothing except your own understanding.
"""

import jax, jax.numpy as jnp
import numpy as np

T = 4096      # tokens (batch 2 * seq 2048)
D = 1024      # hidden_size
E = 16        # n_routed_experts
K = 2         # num_experts_per_tok
DFF = 512     # moe_intermediate_size
NSH = 2       # n_shared_experts


def _mlp(x, wg, wu, wd):
    # DeepseekV2MLP: down_proj(silu(gate_proj(x)) * up_proj(x)), no bias
    return (jax.nn.silu(x @ wg) * (x @ wu)) @ wd


def setup_inputs(seed: int = 0) -> dict:
    key = jax.random.key(seed)
    ks = jax.random.split(key, 9)
    h = jax.random.normal(ks[0], (T, D), dtype=jnp.float32)
    gate_w = jax.random.normal(ks[1], (E, D), dtype=jnp.float32) * (D ** -0.5)
    Wg = jax.random.normal(ks[2], (E, D, DFF), dtype=jnp.float32) * 0.02
    Wu = jax.random.normal(ks[3], (E, D, DFF), dtype=jnp.float32) * 0.02
    Wd = jax.random.normal(ks[4], (E, DFF, D), dtype=jnp.float32) * 0.02
    sWg = jax.random.normal(ks[5], (D, NSH * DFF), dtype=jnp.float32) * 0.02
    sWu = jax.random.normal(ks[6], (D, NSH * DFF), dtype=jnp.float32) * 0.02
    sWd = jax.random.normal(ks[7], (NSH * DFF, D), dtype=jnp.float32) * 0.02
    return {"h": h, "gate_w": gate_w, "Wg": Wg, "Wu": Wu, "Wd": Wd,
            "sWg": sWg, "sWu": sWu, "sWd": sWd}


def reference(h, gate_w, Wg, Wu, Wd, sWg, sWu, sWd):
    # MoEGate: softmax scoring, greedy top-k, no topk-prob normalization,
    # routed_scaling_factor == 1.0
    logits = h @ gate_w.T
    scores = jax.nn.softmax(logits.astype(jnp.float32), axis=-1)
    topk_w, topk_idx = jax.lax.top_k(scores, K)
    y = jnp.zeros_like(h)
    for e in range(E):
        w_tok = jnp.sum(jnp.where(topk_idx == e, topk_w, jnp.float32(0.0)), axis=-1)
        out_e = _mlp(h, Wg[e], Wu[e], Wd[e])
        y = y + out_e * w_tok[:, None]
    # shared experts applied to all tokens, added residually
    y = y + _mlp(h, sWg, sWu, sWd)
    return y

if __name__ == "__main__":
    import jax
    _d = setup_inputs()
    print(jax.jit(kernel)(*tuple(_d.values())))

</pallas_src>

<mosaic_0001>
#map = affine_map<(d0, d1) -> (0, 0)>
#map1 = affine_map<(d0, d1) -> (0, 0, 0)>
module attributes {stable_mosaic.version = 14 : i64} {
  func.func @coll(%arg0: i32, %arg1: i32, %arg2: memref<16384x1024xf32, #tpu.memory_space<hbm>>, %arg3: memref<32x8x32xi32, #tpu.memory_space<hbm>>, %arg4: memref<8192x1024xf32, #tpu.memory_space<hbm>>, %arg5: memref<8x32xi32, #tpu.memory_space<vmem>>, %arg6: memref<32x1024xf32, #tpu.memory_space<vmem>>, %arg7: memref<!tpu.dma_semaphore, #tpu.memory_space<semaphore_mem>>) attributes {dimension_semantics = [#tpu.dimension_semantics<core_parallel>, #tpu.dimension_semantics<subcore_parallel>], iteration_bounds = array<i64: 2, 16>, scalar_prefetch = 0 : i64, scratch_operands = 3 : i64, tpu.core_type = #tpu.core_type<sc_vector_subcore>, window_params = [{transform_indices = #map}, {transform_indices = #map1}, {transform_indices = #map}]} {
    %mul3A = arith.constant 2 : i32
    %mul3A_0 = arith.muli %arg1, %mul3A : i32
    %add3A = arith.addi %mul3A_0, %arg0 : i32
    "tpu.region"() ({
      %run_scoped3A = tpu.sem_alloc : memref<!tpu.dma_semaphore, #tpu.memory_space<semaphore_mem>>
      %dma_start3A = arith.constant 0 : i32
      %dma_start3A_7 = arith.constant 0 : i32
      %dma_start3A_8 = tpu.memref_slice %arg3[%add3A, %dma_start3A, %dma_start3A_7] : memref<32x8x32xi32, #tpu.memory_space<hbm>> -> memref<1x8x32xi32, #tpu.memory_space<hbm>>
      %dma_start3A_9 = tpu.memref_squeeze %dma_start3A_8 : memref<1x8x32xi32, #tpu.memory_space<hbm>> -> memref<8x32xi32, #tpu.memory_space<hbm>>
      %dma_start3A_10 = arith.constant 0 : i32
      %dma_start3A_11 = arith.constant 0 : i32
      %dma_start3A_12 = tpu.memref_slice %arg3[%add3A, %dma_start3A_10, %dma_start3A_11] : memref<32x8x32xi32, #tpu.memory_space<hbm>> -> memref<1x8x32xi32, #tpu.memory_space<hbm>>
      %dma_start3A_13 = tpu.memref_squeeze %dma_start3A_12 : memref<1x8x32xi32, #tpu.memory_space<hbm>> -> memref<8x32xi32, #tpu.memory_space<hbm>>
      tpu.enqueue_dma source(%dma_start3A_13 : memref<8x32xi32, #tpu.memory_space<hbm>>) target(%arg5 : memref<8x32xi32, #tpu.memory_space<vmem>>) target_semaphore(%run_scoped3A : memref<!tpu.dma_semaphore, #tpu.memory_space<semaphore_mem>>)
      %dma_wait3A = arith.constant 0 : i32
      %dma_wait3A_14 = arith.constant 0 : i32
      %dma_wait3A_15 = tpu.memref_slice %arg3[%add3A, %dma_wait3A, %dma_wait3A_14] : memref<32x8x32xi32, #tpu.memory_space<hbm>> -> memref<1x8x32xi32, #tpu.memory_space<hbm>>
      %dma_wait3A_16 = tpu.memref_squeeze %dma_wait3A_15 : memref<1x8x32xi32, #tpu.memory_space<hbm>> -> memref<8x32xi32, #tpu.memory_space<hbm>>
      %dma_wait3A_17 = arith.constant 0 : i32
      %dma_wait3A_18 = arith.constant 0 : i32
      %dma_wait3A_19 = tpu.memref_slice %arg3[%add3A, %dma_wait3A_17, %dma_wait3A_18] : memref<32x8x32xi32, #tpu.memory_space<hbm>> -> memref<1x8x32xi32, #tpu.memory_space<hbm>>
      %dma_wait3A_20 = tpu.memref_squeeze %dma_wait3A_19 : memref<1x8x32xi32, #tpu.memory_space<hbm>> -> memref<8x32xi32, #tpu.memory_space<hbm>>
      tpu.wait_dma2 semaphore(%run_scoped3A : memref<!tpu.dma_semaphore, #tpu.memory_space<semaphore_mem>>) src(%dma_wait3A_20 : memref<8x32xi32, #tpu.memory_space<hbm>>) dst(%arg5 : memref<8x32xi32, #tpu.memory_space<vmem>>)
      tpu.yield
    }) : () -> ()
    %mul3A_1 = arith.constant 256 : i32
    %mul3A_2 = arith.muli %add3A, %mul3A_1 : i32
    %scan3A = arith.constant 0 : i32
    %scan3A_3 = arith.constant 8 : i32
    %scan3A_4 = arith.addi %scan3A, %scan3A_3 : i32
    %scan3A_5 = arith.constant 1 : i32
    scf.for %scan3A_7 = %scan3A to %scan3A_4 step %scan3A_5  : i32 {
      %mul3A_8 = arith.constant 1 : i32
      %mul3A_9 = arith.muli %scan3A_7, %mul3A_8 : i32
      %add3A_10 = arith.constant 0 : i32
      %add3A_11 = arith.addi %add3A_10, %mul3A_9 : i32
      %dma_start3A = arith.constant 0 : i32
      %dma_start3A_12 = tpu.memref_slice %arg5[%add3A_11, %dma_start3A] : memref<8x32xi32, #tpu.memory_space<vmem>> -> memref<1x32xi32, #tpu.memory_space<vmem>>
      %dma_start3A_13 = tpu.memref_squeeze %dma_start3A_12 : memref<1x32xi32, #tpu.memory_space<vmem>> -> memref<32xi32, #tpu.memory_space<vmem>>
      %dma_start3A_14 = arith.constant 0 : i32
      %dma_start3A_15 = arith.constant 0 : i32
      %dma_start3A_16 = tpu.memref_slice %arg2[%dma_start3A_14, %dma_start3A_15] : memref<16384x1024xf32, #tpu.memory_space<hbm>> -> memref<16384x1024xf32, #tpu.memory_space<hbm>>
      tpu.enqueue_indirect_dma source(%dma_start3A_16 : memref<16384x1024xf32, #tpu.memory_space<hbm>>) target(%arg6 : memref<32x1024xf32, #tpu.memory_space<vmem>>) offsets(%dma_start3A_13 : memref<32xi32, #tpu.memory_space<vmem>>) semaphore(%arg7 : memref<!tpu.dma_semaphore, #tpu.memory_space<semaphore_mem>>)
      %dma_wait3A = arith.constant 0 : i32
      %dma_wait3A_17 = tpu.memref_slice %arg5[%add3A_11, %dma_wait3A] : memref<8x32xi32, #tpu.memory_space<vmem>> -> memref<1x32xi32, #tpu.memory_space<vmem>>
      %dma_wait3A_18 = tpu.memref_squeeze %dma_wait3A_17 : memref<1x32xi32, #tpu.memory_space<vmem>> -> memref<32xi32, #tpu.memory_space<vmem>>
      %dma_wait3A_19 = arith.constant 0 : i32
      %dma_wait3A_20 = arith.constant 0 : i32
      %dma_wait3A_21 = tpu.memref_slice %arg2[%dma_wait3A_19, %dma_wait3A_20] : memref<16384x1024xf32, #tpu.memory_space<hbm>> -> memref<16384x1024xf32, #tpu.memory_space<hbm>>
      tpu.wait_indirect_dma semaphore(%arg7 : memref<!tpu.dma_semaphore, #tpu.memory_space<semaphore_mem>>) src(%dma_wait3A_21 : memref<16384x1024xf32, #tpu.memory_space<hbm>>) dst(%arg6 : memref<32x1024xf32, #tpu.memory_space<vmem>>)
      %mul3A_22 = arith.constant 32 : i32
      %mul3A_23 = arith.muli %add3A_11, %mul3A_22 : i32
      %add3A_24 = arith.addi %mul3A_2, %mul3A_23 : i32
      "tpu.region"() ({
        %run_scoped3A = tpu.sem_alloc : memref<!tpu.dma_semaphore, #tpu.memory_space<semaphore_mem>>
        %dma_start3A_25 = arith.constant 0 : i32
        %dma_start3A_26 = tpu.memref_slice %arg4[%add3A_24, %dma_start3A_25] : memref<8192x1024xf32, #tpu.memory_space<hbm>> -> memref<32x1024xf32, #tpu.memory_space<hbm>>
        %dma_start3A_27 = arith.constant 0 : i32
        %dma_start3A_28 = tpu.memref_slice %arg4[%add3A_24, %dma_start3A_27] : memref<8192x1024xf32, #tpu.memory_space<hbm>> -> memref<32x1024xf32, #tpu.memory_space<hbm>>
        tpu.enqueue_dma source(%arg6 : memref<32x1024xf32, #tpu.memory_space<vmem>>) target(%dma_start3A_28 : memref<32x1024xf32, #tpu.memory_space<hbm>>) target_semaphore(%run_scoped3A : memref<!tpu.dma_semaphore, #tpu.memory_space<semaphore_mem>>)
        %dma_wait3A_29 = arith.constant 0 : i32
        %dma_wait3A_30 = tpu.memref_slice %arg4[%add3A_24, %dma_wait3A_29] : memref<8192x1024xf32, #tpu.memory_space<hbm>> -> memref<32x1024xf32, #tpu.memory_space<hbm>>
        %dma_wait3A_31 = arith.constant 0 : i32
        %dma_wait3A_32 = tpu.memref_slice %arg4[%add3A_24, %dma_wait3A_31] : memref<8192x1024xf32, #tpu.memory_space<hbm>> -> memref<32x1024xf32, #tpu.memory_space<hbm>>
        tpu.wait_dma2 semaphore(%run_scoped3A : memref<!tpu.dma_semaphore, #tpu.memory_space<semaphore_mem>>) src(%arg6 : memref<32x1024xf32, #tpu.memory_space<vmem>>) dst(%dma_wait3A_32 : memref<32x1024xf32, #tpu.memory_space<hbm>>)
        tpu.yield
      }) : () -> ()
    }
    %scan3A_6 = arith.constant 8 : i32
    return
  }
}

#map = affine_map<(d0, d1) -> (0, 0)>
#map1 = affine_map<(d0, d1) -> (0, 0, 0)>
module attributes {stable_mosaic.version = 14 : i64} {
  func.func @disp(%arg0: i32, %arg1: i32, %arg2: memref<4096x1024xf32, #tpu.memory_space<hbm>>, %arg3: memref<32x8x32xi32, #tpu.memory_space<hbm>>, %arg4: memref<16384x1024xf32, #tpu.memory_space<hbm>>, %arg5: memref<8x32xi32, #tpu.memory_space<vmem>>, %arg6: memref<32x1024xf32, #tpu.memory_space<vmem>>, %arg7: memref<!tpu.dma_semaphore, #tpu.memory_space<semaphore_mem>>) attributes {dimension_semantics = [#tpu.dimension_semantics<core_parallel>, #tpu.dimension_semantics<subcore_parallel>], iteration_bounds = array<i64: 2, 16>, scalar_prefetch = 0 : i64, scratch_operands = 3 : i64, tpu.core_type = #tpu.core_type<sc_vector_subcore>, window_params = [{transform_indices = #map}, {transform_indices = #map1}, {transform_indices = #map}]} {
    %mul3A = arith.constant 2 : i32
    %mul3A_0 = arith.muli %arg1, %mul3A : i32
    %add3A = arith.addi %mul3A_0, %arg0 : i32
    "tpu.region"() ({
      %run_scoped3A = tpu.sem_alloc : memref<!tpu.dma_semaphore, #tpu.memory_space<semaphore_mem>>
      %dma_start3A = arith.constant 0 : i32
      %dma_start3A_7 = arith.constant 0 : i32
      %dma_start3A_8 = tpu.memref_slice %arg3[%add3A, %dma_start3A, %dma_start3A_7] : memref<32x8x32xi32, #tpu.memory_space<hbm>> -> memref<1x8x32xi32, #tpu.memory_space<hbm>>
      %dma_start3A_9 = tpu.memref_squeeze %dma_start3A_8 : memref<1x8x32xi32, #tpu.memory_space<hbm>> -> memref<8x32xi32, #tpu.memory_space<hbm>>
      %dma_start3A_10 = arith.constant 0 : i32
      %dma_start3A_11 = arith.constant 0 : i32
      %dma_start3A_12 = tpu.memref_slice %arg3[%add3A, %dma_start3A_10, %dma_start3A_11] : memref<32x8x32xi32, #tpu.memory_space<hbm>> -> memref<1x8x32xi32, #tpu.memory_space<hbm>>
      %dma_start3A_13 = tpu.memref_squeeze %dma_start3A_12 : memref<1x8x32xi32, #tpu.memory_space<hbm>> -> memref<8x32xi32, #tpu.memory_space<hbm>>
      tpu.enqueue_dma source(%dma_start3A_13 : memref<8x32xi32, #tpu.memory_space<hbm>>) target(%arg5 : memref<8x32xi32, #tpu.memory_space<vmem>>) target_semaphore(%run_scoped3A : memref<!tpu.dma_semaphore, #tpu.memory_space<semaphore_mem>>)
      %dma_wait3A = arith.constant 0 : i32
      %dma_wait3A_14 = arith.constant 0 : i32
      %dma_wait3A_15 = tpu.memref_slice %arg3[%add3A, %dma_wait3A, %dma_wait3A_14] : memref<32x8x32xi32, #tpu.memory_space<hbm>> -> memref<1x8x32xi32, #tpu.memory_space<hbm>>
      %dma_wait3A_16 = tpu.memref_squeeze %dma_wait3A_15 : memref<1x8x32xi32, #tpu.memory_space<hbm>> -> memref<8x32xi32, #tpu.memory_space<hbm>>
      %dma_wait3A_17 = arith.constant 0 : i32
      %dma_wait3A_18 = arith.constant 0 : i32
      %dma_wait3A_19 = tpu.memref_slice %arg3[%add3A, %dma_wait3A_17, %dma_wait3A_18] : memref<32x8x32xi32, #tpu.memory_space<hbm>> -> memref<1x8x32xi32, #tpu.memory_space<hbm>>
      %dma_wait3A_20 = tpu.memref_squeeze %dma_wait3A_19 : memref<1x8x32xi32, #tpu.memory_space<hbm>> -> memref<8x32xi32, #tpu.memory_space<hbm>>
      tpu.wait_dma2 semaphore(%run_scoped3A : memref<!tpu.dma_semaphore, #tpu.memory_space<semaphore_mem>>) src(%dma_wait3A_20 : memref<8x32xi32, #tpu.memory_space<hbm>>) dst(%arg5 : memref<8x32xi32, #tpu.memory_space<vmem>>)
      tpu.yield
    }) : () -> ()
    %mul3A_1 = arith.constant 256 : i32
    %mul3A_2 = arith.muli %add3A, %mul3A_1 : i32
    %scan3A = arith.constant 0 : i32
    %scan3A_3 = arith.constant 8 : i32
    %scan3A_4 = arith.addi %scan3A, %scan3A_3 : i32
    %scan3A_5 = arith.constant 1 : i32
    scf.for %scan3A_7 = %scan3A to %scan3A_4 step %scan3A_5  : i32 {
      %mul3A_8 = arith.constant 1 : i32
      %mul3A_9 = arith.muli %scan3A_7, %mul3A_8 : i32
      %add3A_10 = arith.constant 0 : i32
      %add3A_11 = arith.addi %add3A_10, %mul3A_9 : i32
      %mul3A_12 = arith.constant 32 : i32
      %mul3A_13 = arith.muli %add3A_11, %mul3A_12 : i32
      %add3A_14 = arith.addi %mul3A_2, %mul3A_13 : i32
      %rem3A = arith.constant 4096 : i32
      %rem3A_15 = arith.remsi %add3A_14, %rem3A : i32
      "tpu.region"() ({
        %run_scoped3A = tpu.sem_alloc : memref<!tpu.dma_semaphore, #tpu.memory_space<semaphore_mem>>
        %dma_start3A_26 = arith.constant 0 : i32
        %dma_start3A_27 = tpu.memref_slice %arg2[%rem3A_15, %dma_start3A_26] : memref<4096x1024xf32, #tpu.memory_space<hbm>> -> memref<32x1024xf32, #tpu.memory_space<hbm>>
        %dma_start3A_28 = arith.constant 0 : i32
        %dma_start3A_29 = tpu.memref_slice %arg2[%rem3A_15, %dma_start3A_28] : memref<4096x1024xf32, #tpu.memory_space<hbm>> -> memref<32x1024xf32, #tpu.memory_space<hbm>>
        tpu.enqueue_dma source(%dma_start3A_29 : memref<32x1024xf32, #tpu.memory_space<hbm>>) target(%arg6 : memref<32x1024xf32, #tpu.memory_space<vmem>>) target_semaphore(%run_scoped3A : memref<!tpu.dma_semaphore, #tpu.memory_space<semaphore_mem>>)
        %dma_wait3A_30 = arith.constant 0 : i32
        %dma_wait3A_31 = tpu.memref_slice %arg2[%rem3A_15, %dma_wait3A_30] : memref<4096x1024xf32, #tpu.memory_space<hbm>> -> memref<32x1024xf32, #tpu.memory_space<hbm>>
        %dma_wait3A_32 = arith.constant 0 : i32
        %dma_wait3A_33 = tpu.memref_slice %arg2[%rem3A_15, %dma_wait3A_32] : memref<4096x1024xf32, #tpu.memory_space<hbm>> -> memref<32x1024xf32, #tpu.memory_space<hbm>>
        tpu.wait_dma2 semaphore(%run_scoped3A : memref<!tpu.dma_semaphore, #tpu.memory_space<semaphore_mem>>) src(%dma_wait3A_33 : memref<32x1024xf32, #tpu.memory_space<hbm>>) dst(%arg6 : memref<32x1024xf32, #tpu.memory_space<vmem>>)
        tpu.yield
      }) : () -> ()
      %dma_start3A = arith.constant 0 : i32
      %dma_start3A_16 = tpu.memref_slice %arg5[%add3A_11, %dma_start3A] : memref<8x32xi32, #tpu.memory_space<vmem>> -> memref<1x32xi32, #tpu.memory_space<vmem>>
      %dma_start3A_17 = tpu.memref_squeeze %dma_start3A_16 : memref<1x32xi32, #tpu.memory_space<vmem>> -> memref<32xi32, #tpu.memory_space<vmem>>
      %dma_start3A_18 = arith.constant 0 : i32
      %dma_start3A_19 = arith.constant 0 : i32
      %dma_start3A_20 = tpu.memref_slice %arg4[%dma_start3A_18, %dma_start3A_19] : memref<16384x1024xf32, #tpu.memory_space<hbm>> -> memref<16384x1024xf32, #tpu.memory_space<hbm>>
      tpu.enqueue_indirect_dma source(%arg6 : memref<32x1024xf32, #tpu.memory_space<vmem>>) target(%dma_start3A_20 : memref<16384x1024xf32, #tpu.memory_space<hbm>>) offsets(%dma_start3A_17 : memref<32xi32, #tpu.memory_space<vmem>>) semaphore(%arg7 : memref<!tpu.dma_semaphore, #tpu.memory_space<semaphore_mem>>)
      %dma_wait3A = arith.constant 0 : i32
      %dma_wait3A_21 = tpu.memref_slice %arg5[%add3A_11, %dma_wait3A] : memref<8x32xi32, #tpu.memory_space<vmem>> -> memref<1x32xi32, #tpu.memory_space<vmem>>
      %dma_wait3A_22 = tpu.memref_squeeze %dma_wait3A_21 : memref<1x32xi32, #tpu.memory_space<vmem>> -> memref<32xi32, #tpu.memory_space<vmem>>
      %dma_wait3A_23 = arith.constant 0 : i32
      %dma_wait3A_24 = arith.constant 0 : i32
      %dma_wait3A_25 = tpu.memref_slice %arg4[%dma_wait3A_23, %dma_wait3A_24] : memref<16384x1024xf32, #tpu.memory_space<hbm>> -> memref<16384x1024xf32, #tpu.memory_space<hbm>>
      tpu.wait_indirect_dma semaphore(%arg7 : memref<!tpu.dma_semaphore, #tpu.memory_space<semaphore_mem>>) src(%arg6 : memref<32x1024xf32, #tpu.memory_space<vmem>>) dst(%dma_wait3A_25 : memref<16384x1024xf32, #tpu.memory_space<hbm>>)
    }
    %scan3A_6 = arith.constant 8 : i32
    return
  }
}

module attributes {stable_mosaic.version = 14 : i64} {
  func.func @_route_kernel(%arg0: memref<4096x1024xf32, #tpu.memory_space<vmem>>, %arg1: memref<16x1024xf32, #tpu.memory_space<vmem>>, %arg2: memref<4096x2xf32, #tpu.memory_space<vmem>>, %arg3: memref<4096x2xi32, #tpu.memory_space<vmem>>, %arg4: memref<32x1xi32, #tpu.memory_space<vmem>>) attributes {dimension_semantics = [], scalar_prefetch = 0 : i64, scratch_operands = 0 : i64, tpu.core_type = #tpu.core_type<tc>} {
    %get3A = arith.constant 0 : index
    %get3A_0 = arith.constant 0 : index
    %get3A_1 = vector.load %arg0[%get3A, %get3A_0] : memref<4096x1024xf32, #tpu.memory_space<vmem>>, vector<4096x1024xf32>
    %get3A_2 = arith.constant 0 : index
    %get3A_3 = arith.constant 0 : index
    %get3A_4 = vector.load %arg1[%get3A_2, %get3A_3] : memref<16x1024xf32, #tpu.memory_space<vmem>>, vector<16x1024xf32>
    %transpose3A = tpu.transpose %get3A_4, [1, 0] : vector<16x1024xf32> -> vector<1024x16xf32>
    %dot_general3A = arith.constant dense<0.000000e+00> : vector<4096x16xf32>
    %dot_general3A_5 = tpu.matmul %get3A_1, %transpose3A, %dot_general3A {dimension_numbers = #tpu.dot_dimension_numbers<[1], [0], [0], [1], [0, 0, 1, 1], [], []>, transpose_lhs_hint = false} : vector<4096x1024xf32>, vector<1024x16xf32>, vector<4096x16xf32> -> vector<4096x16xf32>
    %reduce_max3A = arith.constant dense<0xFF800000> : vector<4096xf32>
    %reduce_max3A_6 = vector.multi_reduction <maximumf>, %dot_general3A_5, %reduce_max3A [1] : vector<4096x16xf32> to vector<4096xf32>
    %broadcast_in_dim3A = vector.shape_cast %reduce_max3A_6 : vector<4096xf32> to vector<4096x1xf32>
    %sub3A = vector.broadcast %broadcast_in_dim3A : vector<4096x1xf32> to vector<4096x16xf32>
    %sub3A_7 = arith.subf %dot_general3A_5, %sub3A : vector<4096x16xf32>
    %exp3A = math.exp %sub3A_7 : vector<4096x16xf32>
    %reduce_sum3A = arith.constant dense<0.000000e+00> : vector<4096xf32>
    %reduce_sum3A_8 = vector.multi_reduction <add>, %exp3A, %reduce_sum3A [1] : vector<4096x16xf32> to vector<4096xf32>
    %broadcast_in_dim3A_9 = vector.shape_cast %reduce_sum3A_8 : vector<4096xf32> to vector<4096x1xf32>
    %div3A = vector.broadcast %broadcast_in_dim3A_9 : vector<4096x1xf32> to vector<4096x16xf32>
    %div3A_10 = arith.divf %exp3A, %div3A : vector<4096x16xf32>
    %iota3A = tpu.iota {dimensions = array<i32: 1>} : vector<4096x16xi32>
    %argmax3A = tpu.reduce_index %div3A_10 {axis = 1 : i32, kind = #tpu.reduction_kind<arg_max>} : vector<4096x16xf32> -> vector<4096xi32>
    %broadcast_in_dim3A_11 = vector.shape_cast %argmax3A : vector<4096xi32> to vector<4096x1xi32>
    %eq3A = vector.broadcast %broadcast_in_dim3A_11 : vector<4096x1xi32> to vector<4096x16xi32>
    %eq3A_12 = arith.cmpi eq, %iota3A, %eq3A : vector<4096x16xi32>
    %jit3A = arith.constant 0xFF800000 : f32
    %broadcast_in_dim3A_13 = vector.broadcast %jit3A : f32 to vector<4096x16xf32>
    %select_n3A = arith.select %eq3A_12, %broadcast_in_dim3A_13, %div3A_10 : vector<4096x16xi1>, vector<4096x16xf32>
    %argmax3A_14 = tpu.reduce_index %select_n3A {axis = 1 : i32, kind = #tpu.reduction_kind<arg_max>} : vector<4096x16xf32> -> vector<4096xi32>
    %broadcast_in_dim3A_15 = vector.shape_cast %argmax3A_14 : vector<4096xi32> to vector<4096x1xi32>
    %eq3A_16 = vector.broadcast %broadcast_in_dim3A_15 : vector<4096x1xi32> to vector<4096x16xi32>
    %eq3A_17 = arith.cmpi eq, %iota3A, %eq3A_16 : vector<4096x16xi32>
    %jit3A_18 = arith.constant 0.000000e+00 : f32
    %broadcast_in_dim3A_19 = vector.broadcast %jit3A_18 : f32 to vector<4096x16xf32>
    %select_n3A_20 = arith.select %eq3A_12, %div3A_10, %broadcast_in_dim3A_19 : vector<4096x16xi1>, vector<4096x16xf32>
    %reduce_sum3A_21 = arith.constant dense<0.000000e+00> : vector<4096xf32>
    %reduce_sum3A_22 = vector.multi_reduction <add>, %select_n3A_20, %reduce_sum3A_21 [1] : vector<4096x16xf32> to vector<4096xf32>
    %broadcast_in_dim3A_23 = vector.shape_cast %reduce_sum3A_22 : vector<4096xf32> to vector<4096x1xf32>
    %jit3A_24 = arith.constant 0.000000e+00 : f32
    %broadcast_in_dim3A_25 = vector.broadcast %jit3A_24 : f32 to vector<4096x16xf32>
    %select_n3A_26 = arith.select %eq3A_17, %div3A_10, %broadcast_in_dim3A_25 : vector<4096x16xi1>, vector<4096x16xf32>
    %reduce_sum3A_27 = arith.constant dense<0.000000e+00> : vector<4096xf32>
    %reduce_sum3A_28 = vector.multi_reduction <add>, %select_n3A_26, %reduce_sum3A_27 [1] : vector<4096x16xf32> to vector<4096xf32>
    %broadcast_in_dim3A_29 = vector.shape_cast %reduce_sum3A_28 : vector<4096xf32> to vector<4096x1xf32>
    %concatenate3A = tpu.concatenate %broadcast_in_dim3A_23, %broadcast_in_dim3A_29 in 1 : vector<4096x1xf32>, vector<4096x1xf32> -> vector<4096x2xf32>
    %swap3A = arith.constant 0 : index
    %swap3A_30 = arith.constant 0 : index
    %swap3A_31 = vector.load %arg2[%swap3A, %swap3A_30] : memref<4096x2xf32, #tpu.memory_space<vmem>>, vector<4096x2xf32>
    tpu.vector_store %arg2[%swap3A, %swap3A_30], %concatenate3A {strides = array<i32>} : memref<4096x2xf32, #tpu.memory_space<vmem>>, vector<4096x2xf32>,
    %convert_element_type3A = arith.extui %eq3A_12 : vector<4096x16xi1> to vector<4096x16xi32>
    %convert_element_type3A_32 = arith.extui %eq3A_17 : vector<4096x16xi1> to vector<4096x16xi32>
    %add3A = arith.addi %convert_element_type3A, %convert_element_type3A_32 : vector<4096x16xi32>
    %broadcast_in_dim3A_33 = arith.constant 0 : i32
    %broadcast_in_dim3A_34 = vector.broadcast %broadcast_in_dim3A_33 : i32 to vector<1x16xi32>
    %slice3A = vector.extract_strided_slice %add3A {offsets = [0, 0], sizes = [4095, 16], strides = [1, 1]} : vector<4096x16xi32> to vector<4095x16xi32>
    %concatenate3A_35 = tpu.concatenate %broadcast_in_dim3A_34, %slice3A in 0 : vector<1x16xi32>, vector<4095x16xi32> -> vector<4096x16xi32>
    %add3A_36 = arith.addi %add3A, %concatenate3A_35 : vector<4096x16xi32>
    %broadcast_in_dim3A_37 = arith.constant 0 : i32
    %broadcast_in_dim3A_38 = vector.broadcast %broadcast_in_dim3A_37 : i32 to vector<2x16xi32>
    %slice3A_39 = vector.extract_strided_slice %add3A_36 {offsets = [0, 0], sizes = [4094, 16], strides = [1, 1]} : vector<4096x16xi32> to vector<4094x16xi32>
    %concatenate3A_40 = tpu.concatenate %broadcast_in_dim3A_38, %slice3A_39 in 0 : vector<2x16xi32>, vector<4094x16xi32> -> vector<4096x16xi32>
    %add3A_41 = arith.addi %add3A_36, %concatenate3A_40 : vector<4096x16xi32>
    %broadcast_in_dim3A_42 = arith.constant 0 : i32
    %broadcast_in_dim3A_43 = vector.broadcast %broadcast_in_dim3A_42 : i32 to vector<4x16xi32>
    %slice3A_44 = vector.extract_strided_slice %add3A_41 {offsets = [0, 0], sizes = [4092, 16], strides = [1, 1]} : vector<4096x16xi32> to vector<4092x16xi32>
    %concatenate3A_45 = tpu.concatenate %broadcast_in_dim3A_43, %slice3A_44 in 0 : vector<4x16xi32>, vector<4092x16xi32> -> vector<4096x16xi32>
    %add3A_46 = arith.addi %add3A_41, %concatenate3A_45 : vector<4096x16xi32>
    %broadcast_in_dim3A_47 = arith.constant 0 : i32
    %broadcast_in_dim3A_48 = vector.broadcast %broadcast_in_dim3A_47 : i32 to vector<8x16xi32>
    %slice3A_49 = vector.extract_strided_slice %add3A_46 {offsets = [0, 0], sizes = [4088, 16], strides = [1, 1]} : vector<4096x16xi32> to vector<4088x16xi32>
    %concatenate3A_50 = tpu.concatenate %broadcast_in_dim3A_48, %slice3A_49 in 0 : vector<8x16xi32>, vector<4088x16xi32> -> vector<4096x16xi32>
    %add3A_51 = arith.addi %add3A_46, %concatenate3A_50 : vector<4096x16xi32>
    %broadcast_in_dim3A_52 = arith.constant 0 : i32
    %broadcast_in_dim3A_53 = vector.broadcast %broadcast_in_dim3A_52 : i32 to vector<16x16xi32>
    %slice3A_54 = vector.extract_strided_slice %add3A_51 {offsets = [0, 0], sizes = [4080, 16], strides = [1, 1]} : vector<4096x16xi32> to vector<4080x16xi32>
    %concatenate3A_55 = tpu.concatenate %broadcast_in_dim3A_53, %slice3A_54 in 0 : vector<16x16xi32>, vector<4080x16xi32> -> vector<4096x16xi32>
    %add3A_56 = arith.addi %add3A_51, %concatenate3A_55 : vector<4096x16xi32>
    %broadcast_in_dim3A_57 = arith.constant 0 : i32
    %broadcast_in_dim3A_58 = vector.broadcast %broadcast_in_dim3A_57 : i32 to vector<32x16xi32>
    %slice3A_59 = vector.extract_strided_slice %add3A_56 {offsets = [0, 0], sizes = [4064, 16], strides = [1, 1]} : vector<4096x16xi32> to vector<4064x16xi32>
    %concatenate3A_60 = tpu.concatenate %broadcast_in_dim3A_58, %slice3A_59 in 0 : vector<32x16xi32>, vector<4064x16xi32> -> vector<4096x16xi32>
    %add3A_61 = arith.addi %add3A_56, %concatenate3A_60 : vector<4096x16xi32>
    %broadcast_in_dim3A_62 = arith.constant 0 : i32
    %broadcast_in_dim3A_63 = vector.broadcast %broadcast_in_dim3A_62 : i32 to vector<64x16xi32>
    %slice3A_64 = vector.extract_strided_slice %add3A_61 {offsets = [0, 0], sizes = [4032, 16], strides = [1, 1]} : vector<4096x16xi32> to vector<4032x16xi32>
    %concatenate3A_65 = tpu.concatenate %broadcast_in_dim3A_63, %slice3A_64 in 0 : vector<64x16xi32>, vector<4032x16xi32> -> vector<4096x16xi32>
    %add3A_66 = arith.addi %add3A_61, %concatenate3A_65 : vector<4096x16xi32>
    %broadcast_in_dim3A_67 = arith.constant 0 : i32
    %broadcast_in_dim3A_68 = vector.broadcast %broadcast_in_dim3A_67 : i32 to vector<128x16xi32>
    %slice3A_69 = vector.extract_strided_slice %add3A_66 {offsets = [0, 0], sizes = [3968, 16], strides = [1, 1]} : vector<4096x16xi32> to vector<3968x16xi32>
    %concatenate3A_70 = tpu.concatenate %broadcast_in_dim3A_68, %slice3A_69 in 0 : vector<128x16xi32>, vector<3968x16xi32> -> vector<4096x16xi32>
    %add3A_71 = arith.addi %add3A_66, %concatenate3A_70 : vector<4096x16xi32>
    %broadcast_in_dim3A_72 = arith.constant 0 : i32
    %broadcast_in_dim3A_73 = vector.broadcast %broadcast_in_dim3A_72 : i32 to vector<256x16xi32>
    %slice3A_74 = vector.extract_strided_slice %add3A_71 {offsets = [0, 0], sizes = [3840, 16], strides = [1, 1]} : vector<4096x16xi32> to vector<3840x16xi32>
    %concatenate3A_75 = tpu.concatenate %broadcast_in_dim3A_73, %slice3A_74 in 0 : vector<256x16xi32>, vector<3840x16xi32> -> vector<4096x16xi32>
    %add3A_76 = arith.addi %add3A_71, %concatenate3A_75 : vector<4096x16xi32>
    %broadcast_in_dim3A_77 = arith.constant 0 : i32
    %broadcast_in_dim3A_78 = vector.broadcast %broadcast_in_dim3A_77 : i32 to vector<512x16xi32>
    %slice3A_79 = vector.extract_strided_slice %add3A_76 {offsets = [0, 0], sizes = [3584, 16], strides = [1, 1]} : vector<4096x16xi32> to vector<3584x16xi32>
    %concatenate3A_80 = tpu.concatenate %broadcast_in_dim3A_78, %slice3A_79 in 0 : vector<512x16xi32>, vector<3584x16xi32> -> vector<4096x16xi32>
    %add3A_81 = arith.addi %add3A_76, %concatenate3A_80 : vector<4096x16xi32>
    %broadcast_in_dim3A_82 = arith.constant 0 : i32
    %broadcast_in_dim3A_83 = vector.broadcast %broadcast_in_dim3A_82 : i32 to vector<1024x16xi32>
    %slice3A_84 = vector.extract_strided_slice %add3A_81 {offsets = [0, 0], sizes = [3072, 16], strides = [1, 1]} : vector<4096x16xi32> to vector<3072x16xi32>
    %concatenate3A_85 = tpu.concatenate %broadcast_in_dim3A_83, %slice3A_84 in 0 : vector<1024x16xi32>, vector<3072x16xi32> -> vector<4096x16xi32>
    %add3A_86 = arith.addi %add3A_81, %concatenate3A_85 : vector<4096x16xi32>
    %broadcast_in_dim3A_87 = arith.constant 0 : i32
    %broadcast_in_dim3A_88 = vector.broadcast %broadcast_in_dim3A_87 : i32 to vector<2048x16xi32>
    %slice3A_89 = vector.extract_strided_slice %add3A_86 {offsets = [0, 0], sizes = [2048, 16], strides = [1, 1]} : vector<4096x16xi32> to vector<2048x16xi32>
    %concatenate3A_90 = tpu.concatenate %broadcast_in_dim3A_88, %slice3A_89 in 0 : vector<2048x16xi32>, vector<2048x16xi32> -> vector<4096x16xi32>
    %add3A_91 = arith.addi %add3A_86, %concatenate3A_90 : vector<4096x16xi32>
    %sub3A_92 = arith.subi %add3A_91, %add3A : vector<4096x16xi32>
    %reduce_sum3A_93 = arith.constant dense<0> : vector<16xi32>
    %reduce_sum3A_94 = vector.multi_reduction <add>, %add3A, %reduce_sum3A_93 [0] : vector<4096x16xi32> to vector<16xi32>
    %broadcast_in_dim3A_95 = vector.shape_cast %reduce_sum3A_94 : vector<16xi32> to vector<1x16xi32>
    %add3A_96 = arith.constant 512 : i32
    %add3A_97 = vector.broadcast %add3A_96 : i32 to vector<1x16xi32>
    %add3A_98 = arith.addi %broadcast_in_dim3A_95, %add3A_97 : vector<1x16xi32>
    %sub3A_99 = arith.constant 1 : i32
    %sub3A_100 = vector.broadcast %sub3A_99 : i32 to vector<1x16xi32>
    %sub3A_101 = arith.subi %add3A_98, %sub3A_100 : vector<1x16xi32>
    %jit3A_102 = arith.constant 512 : i32
    %div3A_103 = vector.broadcast %jit3A_102 : i32 to vector<1x16xi32>
    %div3A_104 = arith.divsi %sub3A_101, %div3A_103 : vector<1x16xi32>
    %sign3A = arith.constant 0 : i32
    %sign3A_105 = vector.broadcast %sign3A : i32 to vector<1x16xi32>
    %sign3A_106 = arith.cmpi sgt, %sub3A_101, %sign3A_105 : vector<1x16xi32>
    %sign3A_107 = arith.extui %sign3A_106 : vector<1x16xi1> to vector<1x16xi32>
    %sign3A_108 = arith.constant 0 : i32
    %sign3A_109 = vector.broadcast %sign3A_108 : i32 to vector<1x16xi32>
    %sign3A_110 = arith.cmpi slt, %sub3A_101, %sign3A_109 : vector<1x16xi32>
    %sign3A_111 = arith.extui %sign3A_110 : vector<1x16xi1> to vector<1x16xi32>
    %sign3A_112 = arith.subi %sign3A_107, %sign3A_111 : vector<1x16xi32>
    %sign3A_113 = arith.constant 0 : i32
    %sign3A_114 = arith.cmpi sgt, %jit3A_102, %sign3A_113 : i32
    %sign3A_115 = arith.extui %sign3A_114 : i1 to i32
    %sign3A_116 = arith.constant 0 : i32
    %sign3A_117 = arith.cmpi slt, %jit3A_102, %sign3A_116 : i32
    %sign3A_118 = arith.extui %sign3A_117 : i1 to i32
    %sign3A_119 = arith.subi %sign3A_115, %sign3A_118 : i32
    %ne3A = vector.broadcast %sign3A_119 : i32 to vector<1x16xi32>
    %ne3A_120 = arith.cmpi ne, %sign3A_112, %ne3A : vector<1x16xi32>
    %rem3A = vector.broadcast %jit3A_102 : i32 to vector<1x16xi32>
    %rem3A_121 = arith.remsi %sub3A_101, %rem3A : vector<1x16xi32>
    %ne3A_122 = arith.constant 0 : i32
    %ne3A_123 = vector.broadcast %ne3A_122 : i32 to vector<1x16xi32>
    %ne3A_124 = arith.cmpi ne, %rem3A_121, %ne3A_123 : vector<1x16xi32>
    %and3A = arith.andi %ne3A_120, %ne3A_124 : vector<1x16xi1>
    %sub3A_125 = arith.constant 1 : i32
    %sub3A_126 = vector.broadcast %sub3A_125 : i32 to vector<1x16xi32>
    %sub3A_127 = arith.subi %div3A_104, %sub3A_126 : vector<1x16xi32>
    %select_n3A_128 = arith.select %and3A, %sub3A_127, %div3A_104 : vector<1x16xi1>, vector<1x16xi32>
    %mul3A = arith.constant 512 : i32
    %mul3A_129 = vector.broadcast %mul3A : i32 to vector<1x16xi32>
    %mul3A_130 = arith.muli %select_n3A_128, %mul3A_129 : vector<1x16xi32>
    %iota3A_131 = tpu.iota {dimensions = array<i32: 0>} : vector<16x16xi32>
    %iota3A_132 = tpu.iota {dimensions = array<i32: 1>} : vector<16x16xi32>
    %lt3A = arith.cmpi slt, %iota3A_131, %iota3A_132 : vector<16x16xi32>
    %convert_element_type3A_133 = arith.extui %lt3A : vector<16x16xi1> to vector<16x16xi32>
    %convert_element_type3A_134 = arith.sitofp %convert_element_type3A_133 : vector<16x16xi32> to vector<16x16xf32>
    %convert_element_type3A_135 = arith.sitofp %mul3A_130 : vector<1x16xi32> to vector<1x16xf32>
    %dot_general3A_136 = arith.constant dense<0.000000e+00> : vector<1x16xf32>
    %dot_general3A_137 = tpu.matmul %convert_element_type3A_135, %convert_element_type3A_134, %dot_general3A_136 {dimension_numbers = #tpu.dot_dimension_numbers<[1], [0], [0], [1], [0, 0, 1, 1], [], []>, transpose_lhs_hint = false} : vector<1x16xf32>, vector<16x16xf32>, vector<1x16xf32> -> vector<1x16xf32>
    %convert_element_type3A_138 = arith.fptosi %dot_general3A_137 : vector<1x16xf32> to vector<1x16xi32>
    %add3A_139 = arith.addi %convert_element_type3A_138, %mul3A_130 : vector<1x16xi32>
    %mul3A_140 = arith.muli %sub3A_92, %convert_element_type3A : vector<4096x16xi32>
    %reduce_sum3A_141 = arith.constant dense<0> : vector<4096xi32>
    %reduce_sum3A_142 = vector.multi_reduction <add>, %mul3A_140, %reduce_sum3A_141 [1] : vector<4096x16xi32> to vector<4096xi32>
    %broadcast_in_dim3A_143 = vector.shape_cast %reduce_sum3A_142 : vector<4096xi32> to vector<4096x1xi32>
    %mul3A_144 = arith.muli %sub3A_92, %convert_element_type3A_32 : vector<4096x16xi32>
    %reduce_sum3A_145 = arith.constant dense<0> : vector<4096xi32>
    %reduce_sum3A_146 = vector.multi_reduction <add>, %mul3A_144, %reduce_sum3A_145 [1] : vector<4096x16xi32> to vector<4096xi32>
    %broadcast_in_dim3A_147 = vector.shape_cast %reduce_sum3A_146 : vector<4096xi32> to vector<4096x1xi32>
    %mul3A_148 = vector.broadcast %convert_element_type3A_138 : vector<1x16xi32> to vector<4096x16xi32>
    %mul3A_149 = arith.muli %mul3A_148, %convert_element_type3A : vector<4096x16xi32>
    %reduce_sum3A_150 = arith.constant dense<0> : vector<4096xi32>
    %reduce_sum3A_151 = vector.multi_reduction <add>, %mul3A_149, %reduce_sum3A_150 [1] : vector<4096x16xi32> to vector<4096xi32>
    %broadcast_in_dim3A_152 = vector.shape_cast %reduce_sum3A_151 : vector<4096xi32> to vector<4096x1xi32>
    %mul3A_153 = vector.broadcast %convert_element_type3A_138 : vector<1x16xi32> to vector<4096x16xi32>
    %mul3A_154 = arith.muli %mul3A_153, %convert_element_type3A_32 : vector<4096x16xi32>
    %reduce_sum3A_155 = arith.constant dense<0> : vector<4096xi32>
    %reduce_sum3A_156 = vector.multi_reduction <add>, %mul3A_154, %reduce_sum3A_155 [1] : vector<4096x16xi32> to vector<4096xi32>
    %broadcast_in_dim3A_157 = vector.shape_cast %reduce_sum3A_156 : vector<4096xi32> to vector<4096x1xi32>
    %add3A_158 = arith.addi %broadcast_in_dim3A_143, %broadcast_in_dim3A_152 : vector<4096x1xi32>
    %add3A_159 = arith.addi %broadcast_in_dim3A_147, %broadcast_in_dim3A_157 : vector<4096x1xi32>
    %concatenate3A_160 = tpu.concatenate %add3A_158, %add3A_159 in 1 : vector<4096x1xi32>, vector<4096x1xi32> -> vector<4096x2xi32>
    %swap3A_161 = arith.constant 0 : index
    %swap3A_162 = arith.constant 0 : index
    %swap3A_163 = vector.load %arg3[%swap3A_161, %swap3A_162] : memref<4096x2xi32, #tpu.memory_space<vmem>>, vector<4096x2xi32>
    tpu.vector_store %arg3[%swap3A_161, %swap3A_162], %concatenate3A_160 {strides = array<i32>} : memref<4096x2xi32, #tpu.memory_space<vmem>>, vector<4096x2xi32>,
    %iota3A_164 = tpu.iota {dimensions = array<i32: 0>} : vector<32x1xi32>
    %mul3A_165 = arith.constant 512 : i32
    %mul3A_166 = vector.broadcast %mul3A_165 : i32 to vector<32x1xi32>
    %mul3A_167 = arith.muli %iota3A_164, %mul3A_166 : vector<32x1xi32>
    %ge3A = vector.broadcast %mul3A_167 : vector<32x1xi32> to vector<32x16xi32>
    %ge3A_168 = vector.broadcast %add3A_139 : vector<1x16xi32> to vector<32x16xi32>
    %ge3A_169 = arith.cmpi sge, %ge3A, %ge3A_168 : vector<32x16xi32>
    %convert_element_type3A_170 = arith.extui %ge3A_169 : vector<32x16xi1> to vector<32x16xi32>
    %reduce_sum3A_171 = arith.constant dense<0> : vector<32xi32>
    %reduce_sum3A_172 = vector.multi_reduction <add>, %convert_element_type3A_170, %reduce_sum3A_171 [1] : vector<32x16xi32> to vector<32xi32>
    %broadcast_in_dim3A_173 = vector.shape_cast %reduce_sum3A_172 : vector<32xi32> to vector<32x1xi32>
    %swap3A_174 = arith.constant 0 : index
    %swap3A_175 = arith.constant 0 : index
    %swap3A_176 = vector.load %arg4[%swap3A_174, %swap3A_175] : memref<32x1xi32, #tpu.memory_space<vmem>>, vector<32x1xi32>
    tpu.vector_store %arg4[%swap3A_174, %swap3A_175], %broadcast_in_dim3A_173 {strides = array<i32>} : memref<32x1xi32, #tpu.memory_space<vmem>>, vector<32x1xi32>,
    return
  }
}

module attributes {stable_mosaic.version = 14 : i64} {
  func.func @_group_mlp_kernel(%arg0: i32, %arg1: memref<32xi32, #tpu.memory_space<smem>>, %arg2: memref<512x1024xf32, #tpu.memory_space<vmem>>, %arg3: memref<1x1024x512xf32, #tpu.memory_space<vmem>>, %arg4: memref<1x1024x512xf32, #tpu.memory_space<vmem>>, %arg5: memref<1x512x1024xf32, #tpu.memory_space<vmem>>, %arg6: memref<512x1024xf32, #tpu.memory_space<vmem>>, %arg7: memref<1024x512xbf16, #tpu.memory_space<vmem>>, %arg8: memref<1024x512xbf16, #tpu.memory_space<vmem>>, %arg9: memref<512x1024xbf16, #tpu.memory_space<vmem>>) attributes {dimension_semantics = [#tpu.dimension_semantics<arbitrary>], iteration_bounds = array<i64: 32>, scalar_prefetch = 1 : i64, scratch_operands = 3 : i64, tpu.core_type = #tpu.core_type<tc>, window_params = [{transform_indices = @transform_0, window_bounds = array<i64: 512, 1024>}, {transform_indices = @transform_1, window_bounds = array<i64: 1, 1024, 512>}, {transform_indices = @transform_2, window_bounds = array<i64: 1, 1024, 512>}, {transform_indices = @transform_3, window_bounds = array<i64: 1, 512, 1024>}, {transform_indices = @transform_4, window_bounds = array<i64: 512, 1024>}]} {
    %get3A = arith.index_cast %arg0 : i32 to index
    %get3A_0 = memref.load %arg1[%get3A] : memref<32xi32, #tpu.memory_space<smem>>
    %sub3A = arith.constant 1 : i32
    %sub3A_1 = arith.subi %arg0, %sub3A : i32
    %max3A = arith.constant 0 : i32
    %max3A_2 = arith.maxsi %sub3A_1, %max3A : i32
    %get3A_3 = arith.index_cast %max3A_2 : i32 to index
    %get3A_4 = memref.load %arg1[%get3A_3] : memref<32xi32, #tpu.memory_space<smem>>
    %eq3A = arith.constant 0 : i32
    %eq3A_5 = arith.cmpi eq, %arg0, %eq3A : i32
    %ne3A = arith.cmpi ne, %get3A_0, %get3A_4 : i32
    %or3A = arith.ori %eq3A_5, %ne3A : i1
    %lt3A = arith.constant 16 : i32
    %lt3A_6 = arith.cmpi slt, %get3A_0, %lt3A : i32
    %and3A = arith.andi %or3A, %lt3A_6 : i1
    %convert_element_type3A = arith.extui %and3A : i1 to i32
    %cond3A = arith.constant 0 : i32
    %cond3A_7 = arith.cmpi ne, %convert_element_type3A, %cond3A : i32
    scf.if %cond3A_7 {
      %get3A_13 = arith.constant 0 : index
      %get3A_14 = arith.constant 0 : index
      %get3A_15 = arith.constant 0 : index
      %get3A_16 = vector.load %arg3[%get3A_13, %get3A_14, %get3A_15] : memref<1x1024x512xf32, #tpu.memory_space<vmem>>, vector<1x1024x512xf32>
      %get3A_17 = vector.shape_cast %get3A_16 : vector<1x1024x512xf32> to vector<1024x512xf32>
      %convert_element_type3A_18 = arith.truncf %get3A_17 : vector<1024x512xf32> to vector<1024x512xbf16>
      %swap3A = arith.constant 0 : index
      %swap3A_19 = arith.constant 0 : index
      %swap3A_20 = vector.load %arg7[%swap3A, %swap3A_19] : memref<1024x512xbf16, #tpu.memory_space<vmem>>, vector<1024x512xbf16>
      tpu.vector_store %arg7[%swap3A, %swap3A_19], %convert_element_type3A_18 {strides = array<i32>} : memref<1024x512xbf16, #tpu.memory_space<vmem>>, vector<1024x512xbf16>,
      %get3A_21 = arith.constant 0 : index
      %get3A_22 = arith.constant 0 : index
      %get3A_23 = arith.constant 0 : index
      %get3A_24 = vector.load %arg4[%get3A_21, %get3A_22, %get3A_23] : memref<1x1024x512xf32, #tpu.memory_space<vmem>>, vector<1x1024x512xf32>
      %get3A_25 = vector.shape_cast %get3A_24 : vector<1x1024x512xf32> to vector<1024x512xf32>
      %convert_element_type3A_26 = arith.truncf %get3A_25 : vector<1024x512xf32> to vector<1024x512xbf16>
      %swap3A_27 = arith.constant 0 : index
      %swap3A_28 = arith.constant 0 : index
      %swap3A_29 = vector.load %arg8[%swap3A_27, %swap3A_28] : memref<1024x512xbf16, #tpu.memory_space<vmem>>, vector<1024x512xbf16>
      tpu.vector_store %arg8[%swap3A_27, %swap3A_28], %convert_element_type3A_26 {strides = array<i32>} : memref<1024x512xbf16, #tpu.memory_space<vmem>>, vector<1024x512xbf16>,
      %get3A_30 = arith.constant 0 : index
      %get3A_31 = arith.constant 0 : index
      %get3A_32 = arith.constant 0 : index
      %get3A_33 = vector.load %arg5[%get3A_30, %get3A_31, %get3A_32] : memref<1x512x1024xf32, #tpu.memory_space<vmem>>, vector<1x512x1024xf32>
      %get3A_34 = vector.shape_cast %get3A_33 : vector<1x512x1024xf32> to vector<512x1024xf32>
      %convert_element_type3A_35 = arith.truncf %get3A_34 : vector<512x1024xf32> to vector<512x1024xbf16>
      %swap3A_36 = arith.constant 0 : index
      %swap3A_37 = arith.constant 0 : index
      %swap3A_38 = vector.load %arg9[%swap3A_36, %swap3A_37] : memref<512x1024xbf16, #tpu.memory_space<vmem>>, vector<512x1024xbf16>
      tpu.vector_store %arg9[%swap3A_36, %swap3A_37], %convert_element_type3A_35 {strides = array<i32>} : memref<512x1024xbf16, #tpu.memory_space<vmem>>, vector<512x1024xbf16>,
    } else {
    }
    %lt3A_8 = arith.constant 16 : i32
    %lt3A_9 = arith.cmpi slt, %get3A_0, %lt3A_8 : i32
    %convert_element_type3A_10 = arith.extui %lt3A_9 : i1 to i32
    %cond3A_11 = arith.constant 0 : i32
    %cond3A_12 = arith.cmpi ne, %convert_element_type3A_10, %cond3A_11 : i32
    scf.if %cond3A_12 {
      %get3A_13 = arith.constant 0 : index
      %get3A_14 = arith.constant 0 : index
      %get3A_15 = vector.load %arg2[%get3A_13, %get3A_14] : memref<512x1024xf32, #tpu.memory_space<vmem>>, vector<512x1024xf32>
      %convert_element_type3A_16 = arith.truncf %get3A_15 : vector<512x1024xf32> to vector<512x1024xbf16>
      %get3A_17 = arith.constant 0 : index
      %get3A_18 = arith.constant 0 : index
      %get3A_19 = vector.load %arg7[%get3A_17, %get3A_18] : memref<1024x512xbf16, #tpu.memory_space<vmem>>, vector<1024x512xbf16>
      %dot_general3A = arith.constant dense<0.000000e+00> : vector<512x512xf32>
      %dot_general3A_20 = tpu.matmul %convert_element_type3A_16, %get3A_19, %dot_general3A {dimension_numbers = #tpu.dot_dimension_numbers<[1], [0], [0], [1], [0, 0, 1, 1], [], []>, transpose_lhs_hint = false} : vector<512x1024xbf16>, vector<1024x512xbf16>, vector<512x512xf32> -> vector<512x512xf32>
      %get3A_21 = arith.constant 0 : index
      %get3A_22 = arith.constant 0 : index
      %get3A_23 = vector.load %arg8[%get3A_21, %get3A_22] : memref<1024x512xbf16, #tpu.memory_space<vmem>>, vector<1024x512xbf16>
      %dot_general3A_24 = arith.constant dense<0.000000e+00> : vector<512x512xf32>
      %dot_general3A_25 = tpu.matmul %convert_element_type3A_16, %get3A_23, %dot_general3A_24 {dimension_numbers = #tpu.dot_dimension_numbers<[1], [0], [0], [1], [0, 0, 1, 1], [], []>, transpose_lhs_hint = false} : vector<512x1024xbf16>, vector<1024x512xbf16>, vector<512x512xf32> -> vector<512x512xf32>
      %logistic3A = arith.negf %dot_general3A_20 : vector<512x512xf32>
      %logistic3A_26 = math.exp %logistic3A : vector<512x512xf32>
      %logistic3A_27 = arith.constant 1.000000e+00 : f32
      %logistic3A_28 = vector.broadcast %logistic3A_27 : f32 to vector<512x512xf32>
      %logistic3A_29 = arith.addf %logistic3A_28, %logistic3A_26 : vector<512x512xf32>
      %logistic3A_30 = arith.divf %logistic3A_28, %logistic3A_29 : vector<512x512xf32>
      %mul3A = arith.mulf %dot_general3A_20, %logistic3A_30 : vector<512x512xf32>
      %mul3A_31 = arith.mulf %mul3A, %dot_general3A_25 : vector<512x512xf32>
      %convert_element_type3A_32 = arith.truncf %mul3A_31 : vector<512x512xf32> to vector<512x512xbf16>
      %get3A_33 = arith.constant 0 : index
      %get3A_34 = arith.constant 0 : index
      %get3A_35 = vector.load %arg9[%get3A_33, %get3A_34] : memref<512x1024xbf16, #tpu.memory_space<vmem>>, vector<512x1024xbf16>
      %dot_general3A_36 = arith.constant dense<0.000000e+00> : vector<512x1024xf32>
      %dot_general3A_37 = tpu.matmul %convert_element_type3A_32, %get3A_35, %dot_general3A_36 {dimension_numbers = #tpu.dot_dimension_numbers<[1], [0], [0], [1], [0, 0, 1, 1], [], []>, transpose_lhs_hint = false} : vector<512x512xbf16>, vector<512x1024xbf16>, vector<512x1024xf32> -> vector<512x1024xf32>
      %swap3A = arith.constant 0 : index
      %swap3A_38 = arith.constant 0 : index
      %swap3A_39 = vector.load %arg6[%swap3A, %swap3A_38] : memref<512x1024xf32, #tpu.memory_space<vmem>>, vector<512x1024xf32>
      tpu.vector_store %arg6[%swap3A, %swap3A_38], %dot_general3A_37 {strides = array<i32>} : memref<512x1024xf32, #tpu.memory_space<vmem>>, vector<512x1024xf32>,
    } else {
    }
    return
  }
  func.func @transform_0(%arg0: i32, %arg1: memref<32xi32, #tpu.memory_space<smem>>) -> (i32, i32) {
    %c0_i32 = arith.constant 0 : i32
    %c0_i32_0 = arith.constant 0 : i32
    return %arg0, %c0_i32 : i32, i32
  }
  func.func @transform_1(%arg0: i32, %arg1: memref<32xi32, #tpu.memory_space<smem>>) -> (i32, i32, i32) {
    %get3A = arith.index_cast %arg0 : i32 to index
    %get3A_0 = memref.load %arg1[%get3A] : memref<32xi32, #tpu.memory_space<smem>>
    %min3A = arith.constant 15 : i32
    %min3A_1 = arith.minsi %get3A_0, %min3A : i32
    %c0_i32 = arith.constant 0 : i32
    %c0_i32_2 = arith.constant 0 : i32
    %c0_i32_3 = arith.constant 0 : i32
    return %min3A_1, %c0_i32, %c0_i32_2 : i32, i32, i32
  }
  func.func @transform_2(%arg0: i32, %arg1: memref<32xi32, #tpu.memory_space<smem>>) -> (i32, i32, i32) {
    %get3A = arith.index_cast %arg0 : i32 to index
    %get3A_0 = memref.load %arg1[%get3A] : memref<32xi32, #tpu.memory_space<smem>>
    %min3A = arith.constant 15 : i32
    %min3A_1 = arith.minsi %get3A_0, %min3A : i32
    %c0_i32 = arith.constant 0 : i32
    %c0_i32_2 = arith.constant 0 : i32
    %c0_i32_3 = arith.constant 0 : i32
    return %min3A_1, %c0_i32, %c0_i32_2 : i32, i32, i32
  }
  func.func @transform_3(%arg0: i32, %arg1: memref<32xi32, #tpu.memory_space<smem>>) -> (i32, i32, i32) {
    %get3A = arith.index_cast %arg0 : i32 to index
    %get3A_0 = memref.load %arg1[%get3A] : memref<32xi32, #tpu.memory_space<smem>>
    %min3A = arith.constant 15 : i32
    %min3A_1 = arith.minsi %get3A_0, %min3A : i32
    %c0_i32 = arith.constant 0 : i32
    %c0_i32_2 = arith.constant 0 : i32
    %c0_i32_3 = arith.constant 0 : i32
    return %min3A_1, %c0_i32, %c0_i32_2 : i32, i32, i32
  }
  func.func @transform_4(%arg0: i32, %arg1: memref<32xi32, #tpu.memory_space<smem>>) -> (i32, i32) {
    %c0_i32 = arith.constant 0 : i32
    %c0_i32_0 = arith.constant 0 : i32
    return %arg0, %c0_i32 : i32, i32
  }
}

module attributes {stable_mosaic.version = 14 : i64} {
  func.func @_shared_kernel(%arg0: i32, %arg1: memref<512x1024xf32, #tpu.memory_space<vmem>>, %arg2: memref<1024x1024xf32, #tpu.memory_space<vmem>>, %arg3: memref<1024x1024xf32, #tpu.memory_space<vmem>>, %arg4: memref<1024x1024xf32, #tpu.memory_space<vmem>>, %arg5: memref<512x1024xf32, #tpu.memory_space<vmem>>, %arg6: memref<1024x1024xbf16, #tpu.memory_space<vmem>>, %arg7: memref<1024x1024xbf16, #tpu.memory_space<vmem>>, %arg8: memref<1024x1024xbf16, #tpu.memory_space<vmem>>) attributes {dimension_semantics = [#tpu.dimension_semantics<arbitrary>], iteration_bounds = array<i64: 8>, scalar_prefetch = 0 : i64, scratch_operands = 3 : i64, tpu.core_type = #tpu.core_type<tc>, window_params = [{transform_indices = @transform_0, window_bounds = array<i64: 512, 1024>}, {pipeline_mode = #tpu.pipeline_mode<synchronous>, transform_indices = @transform_1, window_bounds = array<i64: 1024, 1024>}, {pipeline_mode = #tpu.pipeline_mode<synchronous>, transform_indices = @transform_2, window_bounds = array<i64: 1024, 1024>}, {pipeline_mode = #tpu.pipeline_mode<synchronous>, transform_indices = @transform_3, window_bounds = array<i64: 1024, 1024>}, {transform_indices = @transform_4, window_bounds = array<i64: 512, 1024>}]} {
    %eq3A = arith.constant 0 : i32
    %eq3A_0 = arith.cmpi eq, %arg0, %eq3A : i32
    %convert_element_type3A = arith.extui %eq3A_0 : i1 to i32
    %cond3A = arith.constant 0 : i32
    %cond3A_1 = arith.cmpi ne, %convert_element_type3A, %cond3A : i32
    scf.if %cond3A_1 {
      %get3A_28 = arith.constant 0 : index
      %get3A_29 = arith.constant 0 : index
      %get3A_30 = vector.load %arg2[%get3A_28, %get3A_29] : memref<1024x1024xf32, #tpu.memory_space<vmem>>, vector<1024x1024xf32>
      %convert_element_type3A_31 = arith.truncf %get3A_30 : vector<1024x1024xf32> to vector<1024x1024xbf16>
      %swap3A_32 = arith.constant 0 : index
      %swap3A_33 = arith.constant 0 : index
      %swap3A_34 = vector.load %arg6[%swap3A_32, %swap3A_33] : memref<1024x1024xbf16, #tpu.memory_space<vmem>>, vector<1024x1024xbf16>
      tpu.vector_store %arg6[%swap3A_32, %swap3A_33], %convert_element_type3A_31 {strides = array<i32>} : memref<1024x1024xbf16, #tpu.memory_space<vmem>>, vector<1024x1024xbf16>,
      %get3A_35 = arith.constant 0 : index
      %get3A_36 = arith.constant 0 : index
      %get3A_37 = vector.load %arg3[%get3A_35, %get3A_36] : memref<1024x1024xf32, #tpu.memory_space<vmem>>, vector<1024x1024xf32>
      %convert_element_type3A_38 = arith.truncf %get3A_37 : vector<1024x1024xf32> to vector<1024x1024xbf16>
      %swap3A_39 = arith.constant 0 : index
      %swap3A_40 = arith.constant 0 : index
      %swap3A_41 = vector.load %arg7[%swap3A_39, %swap3A_40] : memref<1024x1024xbf16, #tpu.memory_space<vmem>>, vector<1024x1024xbf16>
      tpu.vector_store %arg7[%swap3A_39, %swap3A_40], %convert_element_type3A_38 {strides = array<i32>} : memref<1024x1024xbf16, #tpu.memory_space<vmem>>, vector<1024x1024xbf16>,
      %get3A_42 = arith.constant 0 : index
      %get3A_43 = arith.constant 0 : index
      %get3A_44 = vector.load %arg4[%get3A_42, %get3A_43] : memref<1024x1024xf32, #tpu.memory_space<vmem>>, vector<1024x1024xf32>
      %convert_element_type3A_45 = arith.truncf %get3A_44 : vector<1024x1024xf32> to vector<1024x1024xbf16>
      %swap3A_46 = arith.constant 0 : index
      %swap3A_47 = arith.constant 0 : index
      %swap3A_48 = vector.load %arg8[%swap3A_46, %swap3A_47] : memref<1024x1024xbf16, #tpu.memory_space<vmem>>, vector<1024x1024xbf16>
      tpu.vector_store %arg8[%swap3A_46, %swap3A_47], %convert_element_type3A_45 {strides = array<i32>} : memref<1024x1024xbf16, #tpu.memory_space<vmem>>, vector<1024x1024xbf16>,
    } else {
    }
    %get3A = arith.constant 0 : index
    %get3A_2 = arith.constant 0 : index
    %get3A_3 = vector.load %arg1[%get3A, %get3A_2] : memref<512x1024xf32, #tpu.memory_space<vmem>>, vector<512x1024xf32>
    %convert_element_type3A_4 = arith.truncf %get3A_3 : vector<512x1024xf32> to vector<512x1024xbf16>
    %get3A_5 = arith.constant 0 : index
    %get3A_6 = arith.constant 0 : index
    %get3A_7 = vector.load %arg6[%get3A_5, %get3A_6] : memref<1024x1024xbf16, #tpu.memory_space<vmem>>, vector<1024x1024xbf16>
    %dot_general3A = arith.constant dense<0.000000e+00> : vector<512x1024xf32>
    %dot_general3A_8 = tpu.matmul %convert_element_type3A_4, %get3A_7, %dot_general3A {dimension_numbers = #tpu.dot_dimension_numbers<[1], [0], [0], [1], [0, 0, 1, 1], [], []>, transpose_lhs_hint = false} : vector<512x1024xbf16>, vector<1024x1024xbf16>, vector<512x1024xf32> -> vector<512x1024xf32>
    %get3A_9 = arith.constant 0 : index
    %get3A_10 = arith.constant 0 : index
    %get3A_11 = vector.load %arg7[%get3A_9, %get3A_10] : memref<1024x1024xbf16, #tpu.memory_space<vmem>>, vector<1024x1024xbf16>
    %dot_general3A_12 = arith.constant dense<0.000000e+00> : vector<512x1024xf32>
    %dot_general3A_13 = tpu.matmul %convert_element_type3A_4, %get3A_11, %dot_general3A_12 {dimension_numbers = #tpu.dot_dimension_numbers<[1], [0], [0], [1], [0, 0, 1, 1], [], []>, transpose_lhs_hint = false} : vector<512x1024xbf16>, vector<1024x1024xbf16>, vector<512x1024xf32> -> vector<512x1024xf32>
    %logistic3A = arith.negf %dot_general3A_8 : vector<512x1024xf32>
    %logistic3A_14 = math.exp %logistic3A : vector<512x1024xf32>
    %logistic3A_15 = arith.constant 1.000000e+00 : f32
    %logistic3A_16 = vector.broadcast %logistic3A_15 : f32 to vector<512x1024xf32>
    %logistic3A_17 = arith.addf %logistic3A_16, %logistic3A_14 : vector<512x1024xf32>
    %logistic3A_18 = arith.divf %logistic3A_16, %logistic3A_17 : vector<512x1024xf32>
    %mul3A = arith.mulf %dot_general3A_8, %logistic3A_18 : vector<512x1024xf32>
    %mul3A_19 = arith.mulf %mul3A, %dot_general3A_13 : vector<512x1024xf32>
    %convert_element_type3A_20 = arith.truncf %mul3A_19 : vector<512x1024xf32> to vector<512x1024xbf16>
    %get3A_21 = arith.constant 0 : index
    %get3A_22 = arith.constant 0 : index
    %get3A_23 = vector.load %arg8[%get3A_21, %get3A_22] : memref<1024x1024xbf16, #tpu.memory_space<vmem>>, vector<1024x1024xbf16>
    %dot_general3A_24 = arith.constant dense<0.000000e+00> : vector<512x1024xf32>
    %dot_general3A_25 = tpu.matmul %convert_element_type3A_20, %get3A_23, %dot_general3A_24 {dimension_numbers = #tpu.dot_dimension_numbers<[1], [0], [0], [1], [0, 0, 1, 1], [], []>, transpose_lhs_hint = false} : vector<512x1024xbf16>, vector<1024x1024xbf16>, vector<512x1024xf32> -> vector<512x1024xf32>
    %swap3A = arith.constant 0 : index
    %swap3A_26 = arith.constant 0 : index
    %swap3A_27 = vector.load %arg5[%swap3A, %swap3A_26] : memref<512x1024xf32, #tpu.memory_space<vmem>>, vector<512x1024xf32>
    tpu.vector_store %arg5[%swap3A, %swap3A_26], %dot_general3A_25 {strides = array<i32>} : memref<512x1024xf32, #tpu.memory_space<vmem>>, vector<512x1024xf32>,
    return
  }
  func.func @transform_0(%arg0: i32) -> (i32, i32) {
    %c0_i32 = arith.constant 0 : i32
    %c0_i32_0 = arith.constant 0 : i32
    return %arg0, %c0_i32 : i32, i32
  }
  func.func @transform_1(%arg0: i32) -> (i32, i32) {
    %c0_i32 = arith.constant 0 : i32
    %c0_i32_0 = arith.constant 0 : i32
    %c0_i32_1 = arith.constant 0 : i32
    return %c0_i32, %c0_i32_0 : i32, i32
  }
  func.func @transform_2(%arg0: i32) -> (i32, i32) {
    %c0_i32 = arith.constant 0 : i32
    %c0_i32_0 = arith.constant 0 : i32
    %c0_i32_1 = arith.constant 0 : i32
    return %c0_i32, %c0_i32_0 : i32, i32
  }
  func.func @transform_3(%arg0: i32) -> (i32, i32) {
    %c0_i32 = arith.constant 0 : i32
    %c0_i32_0 = arith.constant 0 : i32
    %c0_i32_1 = arith.constant 0 : i32
    return %c0_i32, %c0_i32_0 : i32, i32
  }
  func.func @transform_4(%arg0: i32) -> (i32, i32) {
    %c0_i32 = arith.constant 0 : i32
    %c0_i32_0 = arith.constant 0 : i32
    return %arg0, %c0_i32 : i32, i32
  }
}

module attributes {stable_mosaic.version = 14 : i64} {
  func.func @_combine_kernel(%arg0: i32, %arg1: memref<512x1024xf32, #tpu.memory_space<vmem>>, %arg2: memref<512x1024xf32, #tpu.memory_space<vmem>>, %arg3: memref<512x1024xf32, #tpu.memory_space<vmem>>, %arg4: memref<512x2xf32, #tpu.memory_space<vmem>>, %arg5: memref<512x1024xf32, #tpu.memory_space<vmem>>) attributes {dimension_semantics = [#tpu.dimension_semantics<arbitrary>], iteration_bounds = array<i64: 8>, scalar_prefetch = 0 : i64, scratch_operands = 0 : i64, tpu.core_type = #tpu.core_type<tc>, window_params = [{transform_indices = @transform_0, window_bounds = array<i64: 512, 1024>}, {transform_indices = @transform_1, window_bounds = array<i64: 512, 1024>}, {transform_indices = @transform_2, window_bounds = array<i64: 512, 1024>}, {transform_indices = @transform_3, window_bounds = array<i64: 512, 2>}, {transform_indices = @transform_4, window_bounds = array<i64: 512, 1024>}]} {
    %get3A = arith.constant 0 : index
    %get3A_0 = arith.constant 0 : index
    %get3A_1 = vector.load %arg4[%get3A, %get3A_0] : memref<512x2xf32, #tpu.memory_space<vmem>>, vector<512x1xf32>
    %get3A_2 = arith.constant 0 : index
    %get3A_3 = arith.constant 1 : index
    %get3A_4 = vector.load %arg4[%get3A_2, %get3A_3] : memref<512x2xf32, #tpu.memory_space<vmem>>, vector<512x1xf32>
    %get3A_5 = arith.constant 0 : index
    %get3A_6 = arith.constant 0 : index
    %get3A_7 = vector.load %arg1[%get3A_5, %get3A_6] : memref<512x1024xf32, #tpu.memory_space<vmem>>, vector<512x1024xf32>
    %get3A_8 = arith.constant 0 : index
    %get3A_9 = arith.constant 0 : index
    %get3A_10 = vector.load %arg2[%get3A_8, %get3A_9] : memref<512x1024xf32, #tpu.memory_space<vmem>>, vector<512x1024xf32>
    %mul3A = vector.broadcast %get3A_1 : vector<512x1xf32> to vector<512x1024xf32>
    %mul3A_11 = arith.mulf %mul3A, %get3A_10 : vector<512x1024xf32>
    %add3A = arith.addf %get3A_7, %mul3A_11 : vector<512x1024xf32>
    %get3A_12 = arith.constant 0 : index
    %get3A_13 = arith.constant 0 : index
    %get3A_14 = vector.load %arg3[%get3A_12, %get3A_13] : memref<512x1024xf32, #tpu.memory_space<vmem>>, vector<512x1024xf32>
    %mul3A_15 = vector.broadcast %get3A_4 : vector<512x1xf32> to vector<512x1024xf32>
    %mul3A_16 = arith.mulf %mul3A_15, %get3A_14 : vector<512x1024xf32>
    %add3A_17 = arith.addf %add3A, %mul3A_16 : vector<512x1024xf32>
    %swap3A = arith.constant 0 : index
    %swap3A_18 = arith.constant 0 : index
    %swap3A_19 = vector.load %arg5[%swap3A, %swap3A_18] : memref<512x1024xf32, #tpu.memory_space<vmem>>, vector<512x1024xf32>
    tpu.vector_store %arg5[%swap3A, %swap3A_18], %add3A_17 {strides = array<i32>} : memref<512x1024xf32, #tpu.memory_space<vmem>>, vector<512x1024xf32>,
    return
  }
  func.func @transform_0(%arg0: i32) -> (i32, i32) {
    %c0_i32 = arith.constant 0 : i32
    %c0_i32_0 = arith.constant 0 : i32
    return %arg0, %c0_i32 : i32, i32
  }
  func.func @transform_1(%arg0: i32) -> (i32, i32) {
    %c0_i32 = arith.constant 0 : i32
    %c0_i32_0 = arith.constant 0 : i32
    return %arg0, %c0_i32 : i32, i32
  }
  func.func @transform_2(%arg0: i32) -> (i32, i32) {
    %add3A = arith.constant 8 : i32
    %add3A_0 = arith.addi %arg0, %add3A : i32
    %c0_i32 = arith.constant 0 : i32
    %c0_i32_1 = arith.constant 0 : i32
    return %add3A_0, %c0_i32 : i32, i32
  }
  func.func @transform_3(%arg0: i32) -> (i32, i32) {
    %c0_i32 = arith.constant 0 : i32
    %c0_i32_0 = arith.constant 0 : i32
    return %arg0, %c0_i32 : i32, i32
  }
  func.func @transform_4(%arg0: i32) -> (i32, i32) {
    %c0_i32 = arith.constant 0 : i32
    %c0_i32_0 = arith.constant 0 : i32
    return %arg0, %c0_i32 : i32, i32
  }
}

</mosaic_0001>

<sc_bundles>
// kernel: kernel.11.cloned.1.call-start
scs
__scs_entry_jumppad:
0x0: {  	(pc) =	sbr.rel $0x88, $3  }
0x1: {  	(tag) =	ssettag $0x0;
	lr =	simm.s32 $0x1  }
0x2: {  	[smem:$0x3F99] =	sst lr;
	_ =	strace $0xD0000000  }
0x3: {  	_ = 	snop  }
0x4: {  	_ = 	snop  }
0x5: {  	_ = 	snop  }
0x6: {  	_ = 	snop  }
0x7: {  	_ = 	snop  }
__scs_overlays_trampoline_lowered:
0x8: {  	[smem:$0x3FA8] =	sst s0  }
0x9: {  	[smem:$0x3FA9] =	sst s1  }
0xa: {  	[smem:$0x3FAA] =	sst s2  }
0xb: {  	[smem:$0x3FAB] =	sst s3  }
0xc: {  	[smem:$0x3FAC] =	sst s4  }
0xd: {  	[smem:$0x3FAD] =	sst s5  }
0xe: {  	[smem:$0x3FAE] =	sst s6  }
0xf: {  	[smem:$0x3FAF] =	sst s7  }
0x10: {  	[smem:$0x3FB0] =	sst s8  }
0x11: {  	[smem:$0x3FB1] =	sst s9;
	s0 =	simm.s32 @!p0 $0x0  }
0x12: {  	s1 =	sld [smem:$0x3F97];
	s0 =	simm.s32 @p0 $0x1  }
0x13: {  	[smem:$0x3FB2] =	sst s0;
	s0 =	simm.s32 @!p1 $0x0  }
0x14: {  	s2 =	sld [smem:$0x3F96];
	s0 =	simm.s32 @p1 $0x1  }
0x15: {  	[smem:$0x3FB3] =	sst s0;
	s0 =	simm.s32 @!p2 $0x0  }
0x16: {  	s3 =	sld [smem:$0x3FDB];
	s0 =	simm.s32 @p2 $0x1  }
0x17: {  	s4 =	simm.s32 $0x1BF5;
	[smem:$0x3FB5] =	sst s0  }
0x18: {  	s0 =	sld [smem:$0x3F98];
	_ =	swait.ge [sflag:s4], $0x0  }
0x19: {  	s7 =	sld [smem:$0x3F99]  }
0x1a: {  	s8 =	sadd.s32 $0xFFFFE003, lr  }
0x1b: {  	s9 =	sadd.s32 $0xFFFFFEF7, lr;
	s5 =	simm.s32 $0xFFFFFFFF;
	p2 =	slt.u32 s8, $0xFFFFF086  }
0x1c: {  	p1 =	slt.u32 s9, $0xF7A;
	s5 =	simm.s32 @!p2 $0x0  }
0x1d: {  	s5 =	simm.s32 @p1 $0x1;
	p0 =	seq.s32 s7, s2  }
0x1e: {  	s7 =	smul.u32 @!p0 $0xF7A, s2;
	p2 =	seq.s32 @!p0 s5, $0x0  }
0x1f: {  	s9 =	smul.u32 $0xF7A, s1;
	s8 =	simm.s32 @!p0 $0x1BF5;
	p2 =	por !p2, p0  }
0x20: {  	[sflag:s8] =	ssyncset.s32 @!p0 $0xFFFFF086;
	s6 =	sadd.s32 @!p0 s3, s7;
	s7 =	simm.s32 @!p0 $0x108  }
0x21: {  	s3 =	sadd.s32 s3, s9;
	s6 =	sadd.s32 @!p0 $0x88, s6;
	s7 =	simm.s32 @p2 $0x1082  }
0x22: {  	[simem:s7], [sflag:s8] =	dma.local @!p0 [hbm:s6], $0xF7A  }
0x23: {  	s9 =	sor.u32 $0xD0000000, s2;
	s6 =	simm.s32 $0x108;
	_ =	swait.ge @!p0 [sflag:s8], $0x0  }
0x24: {  	s3 =	sadd.s32 $0x88, s3;
	s6 =	simm.s32 @!p1 $0x1082;
	[sflag:s4] =	ssyncset.s32 $0xFFFFF086  }
0x25: {  	[simem:s6], [sflag:s4] =	dma.local [hbm:s3], $0xF7A  }
0x26: {  	[smem:$0x3F99] =	sst s1;
	(tag) =	ssettag s2;
	_ =	strace s9  }
0x27: {  	s1 =	sld [smem:$0x3FA9]  }
0x28: {  	s2 =	sld [smem:$0x3FAA]  }
0x29: {  	s4 =	sld [smem:$0x3FAC]  }
0x2a: {  	p0 =	seq.s32 s5, $0x0;
	s5 =	sld [smem:$0x3FAD]  }
0x2b: {  	s6 =	sld [smem:$0x3FAE]  }
0x2c: {  	s7 =	sld [smem:$0x3FAF]  }
0x2d: {  	s3 =	simm.s32 $0x108;
	s8 =	sld [smem:$0x3FB0]  }
0x2e: {  	s3 =	simm.s32 @!p0 $0x1082;
	s9 =	sld [smem:$0x3FB1]  }
0x2f: {  	lr =	sadd.s32 s0, s3;
	s0 =	sld [smem:$0x3FA8]  }
0x30: {  	s3 =	sld [smem:$0x3FAB]  }
0x31: {  	[smem:$0x3FB4] =	sst s10  }
0x32: {  	s10 =	sld [smem:$0x3FB2];
	_ =	sdelay $0x3  }
0x33: {  	p0 =	seq.s32 s10, $0x1;
	s10 =	sld [smem:$0x3FB4];
	_ =	sdelay $0x3  }
0x34: {  	[smem:$0x3FB4] =	sst s10  }
0x35: {  	s10 =	sld [smem:$0x3FB3];
	_ =	sdelay $0x3  }
0x36: {  	p1 =	seq.s32 s10, $0x1;
	s10 =	sld [smem:$0x3FB4];
	_ =	sdelay $0x3  }
0x37: {  	[smem:$0x3FB4] =	sst s10  }
0x38: {  	s10 =	sld [smem:$0x3FB5]  }
0x39: {  	_ = 	snop;
	(pc) =	sbr.ind lr, $3  }
0x3a: {  	_ = 	snop  }
0x3b: {  	_ = 	snop  }
0x3c: {  	p2 =	seq.s32 s10, $0x1;
	s10 =	sld [smem:$0x3FB4]  }
0x3d: {  	_ =	shalt  }
0x3e: {  	_ =	shalt  }
0x3f: {  	_ =	shalt  }
0x40: {  	_ =	shalt  }
0x41: {  	_ =	shalt  }
0x42: {  	_ =	shalt  }
0x43: {  	_ =	shalt  }
0x44: {  	_ =	shalt  }
0x45: {  	_ =	shalt  }
0x46: {  	_ =	shalt  }
0x47: {  	_ =	shalt  }
0x48: {  	_ =	shalt  }
0x49: {  	_ =	shalt  }
0x4a: {  	_ =	shalt  }
0x4b: {  	_ =	shalt  }
0x4c: {  	_ =	shalt  }
0x4d: {  	_ =	shalt  }
0x4e: {  	_ =	shalt  }
0x4f: {  	_ =	shalt  }
0x50: {  	_ =	shalt  }
0x51: {  	_ =	shalt  }
0x52: {  	_ =	shalt  }
0x53: {  	_ =	shalt  }
0x54: {  	_ =	shalt  }
0x55: {  	_ =	shalt  }
0x56: {  	_ =	shalt  }
0x57: {  	_ =	shalt  }
0x58: {  	_ =	shalt  }
0x59: {  	_ =	shalt  }
0x5a: {  	_ =	shalt  }
0x5b: {  	_ =	shalt  }
0x5c: {  	_ =	shalt  }
0x5d: {  	_ =	shalt  }
0x5e: {  	_ =	shalt  }
0x5f: {  	_ =	shalt  }
0x60: {  	_ =	shalt  }
0x61: {  	_ =	shalt  }
0x62: {  	_ =	shalt  }
0x63: {  	_ =	shalt  }
0x64: {  	_ =	shalt  }
0x65: {  	_ =	shalt  }
0x66: {  	_ =	shalt  }
0x67: {  	_ =	shalt  }
0x68: {  	_ =	shalt  }
0x69: {  	_ =	shalt  }
0x6a: {  	_ =	shalt  }
0x6b: {  	_ =	shalt  }
0x6c: {  	_ =	shalt  }
0x6d: {  	_ =	shalt  }
0x6e: {  	_ =	shalt  }
0x6f: {  	_ =	shalt  }
0x70: {  	_ =	shalt  }
0x71: {  	_ =	shalt  }
0x72: {  	_ =	shalt  }
0x73: {  	_ =	shalt  }
0x74: {  	_ =	shalt  }
0x75: {  	_ =	shalt  }
0x76: {  	_ =	shalt  }
0x77: {  	_ =	shalt  }
0x78: {  	_ =	shalt  }
0x79: {  	_ =	shalt  }
0x7a: {  	_ =	shalt  }
0x7b: {  	_ =	shalt  }
0x7c: {  	_ =	shalt  }
0x7d: {  	_ =	shalt  }
0x7e: {  	_ =	shalt  }
0x7f: {  	_ =	shalt  }
0x80: {  	_ =	shalt  }
0x81: {  	_ =	shalt  }
0x82: {  	_ =	shalt  }
0x83: {  	_ =	shalt  }
0x84: {  	_ =	shalt  }
0x85: {  	_ =	shalt  }
0x86: {  	_ =	shalt  }
0x87: {  	_ =	shalt  }
.Lfunc_end0:
.L_simem_size_0:
called_computation.1_lowered:
.L_overlay_start_0:
0x88: {  	s2 =	sld [smem:$0x3FD9]  }
0x89: {  	s3 =	sld [smem:$0x3FFE];
	_ =	sdelay $0x1  }
0x8a: {  	s1 =	srdreg.scid  }
0x8b: {  	s0 =	sand.u32 $0x1, s1  }
0x8c: {  	s16 =	sshll.u32 s0, $0xA;
	s2 =	sadd.s32 s3, s2  }
0x8d: {  	s2 =	sadd.s32 s2, s16  }
0x8e: {  	[smem:$0x3FC0] =	sst s2  }
0x8f: {  	_ = 	snop  }
0x90: {  	(tm) =	ssettm $0x1  }
0x91: {  	s17 =	sld [smem:$0x3FFB];
	_ =	sdelay $0x3  }
0x92: {  	_ =	strace s17  }
0x93: {  	s2 =	sld [smem:$0x3FFC];
	_ =	sdelay $0x3  }
0x94: {  	_ =	strace s2  }
0x95: {  	s2 =	sld [smem:$0x3FFD];
	_ =	sdelay $0x3  }
0x96: {  	_ =	strace s2  }
0x97: {  	_ =	strace $0x8FFFFFFF  }
0x98: {  	s18 =	sld [smem:$0x3FDB];
	_ =	sdelay $0x1  }
0x99: {  	s19 =	simm.s32 $_scs_section_size  }
0x9a: {  	s4 =	simm.s32 $_size__tile_overlayer_lowered;
	s5 =	simm.s32 $_tile_overlayer_lowered  }
0x9b: {  	s22 =	simm.s32 $0x1BFF;
	s21 =	sshll.u32 s5, $0x1;
	s2 =	sadd.s32 s19, s18  }
0x9c: {  	s6 =	simm.s32 $0x0;
	s20 =	sshll.u32 s4, $0x1;
	s4 =	sadd.s32 s21, s2  }
0x9d: {  	[timem:s6], [sflag:s22] =	dma.local [hbm:s4], s20  }
0x9e: {  	_ =	swait.ge [sflag:s22], s20  }
0x9f: {  	s3 =	ssub.s32 $0x0, s20;
	[sflag:s22] =	ssyncset.done $0x0  }
0xa0: {  	[sflag:s22] =	ssyncadd.s32 s3;
	_ =	sdelay $0x1  }
0xa1: {  	s23 =	simm.s32 $0x1B8B  }
0xa2: {  	_ =	swait.ge [sflag:s23], $0x1  }
0xa3: {  	[sflag:s23] =	ssyncset.done $0x0  }
0xa4: {  	s25 =	simm.s32 $0x1B8E;
	s24 =	sld [smem:$0x3FFE];
	[sflag:s23] =	ssyncadd.s32 $0xFFFFFFFF  }
0xa5: {  	s26 =	simm.s32 $execute0_lowered;
	[smem:$0x3FD2] =	sst s25  }
0xa6: {  	s4 =	sshll.u32 s26, $0x1;
	_ =	strace $0x80000049;
	[dreg:$0x1] =	wrdreg $0xFFFFFFFF  }
0xa7: {  	s28 =	simm.s32 $_size_execute0_lowered;
	s2 =	sadd.s32 s2, s4;
	[dreg:$0x0] =	wrdreg $0x0  }
0xa8: {  	s4 =	sshll.u32 s28, $0x1;
	[dreg:$0x2] =	wrdreg s2  }
0xa9: {  	[dreg:$0x3] =	wrdreg s4  }
0xaa: {  	[dreg:$0x4] =	wrdreg $0xC0  }
0xab: {  	_ =	task [dreg:s6], $0x5FFFF  }
0xac: {  	[dreg:$0x1] =	wrdreg $0xFFFFFFFF  }
0xad: {  	[dreg:$0x0] =	wrdreg $0x60  }
0xae: {  	[dreg:$0x2] =	wrdreg s24  }
0xaf: {  	[dreg:$0x3] =	wrdreg $0x9  }
0xb0: {  	_ =	task.clear_ibuf [dreg:s6], $0x4FFFF;
	_ =	strace $0x90000049  }
0xb1: {  	s29 =	simm.s32 $0x9;
	_ =	strace $0x8000004B  }
0xb2: {  	_ =	swait.ge [sflag:s29], $0x1  }
0xb3: {  	[sflag:s29] =	ssyncadd.s32 $0xFFFFFFFF  }
0xb4: {  	_ =	strace $0x9000004B  }
0xb5: {  	_ =	sfence  }
0xb6: {  	s30 =	sld [smem:$0x0];
	_ =	sdelay $0x2  }
0xb7: {  	s31 =	sshll.u32 s1, $0xD;
	s1 =	sshrl.u32 s1, $0x2  }
0xb8: {  	s3 =	sand.u32 $0x4000, s31;
	s1 =	sadd.s32 s1, s30  }
0xb9: {  	s0 =	sor.u32 s3, s0;
	s1 =	sshll.u32 s1, $0x11  }
0xba: {  	s0 =	sor.u32 s1, s0  }
0xbb: {  	s0 =	sadd.s32 $0x8F2B, s0  }
0xbc: {  	[sflag:s0] =	ssyncadd.remote.s32 $0x1  }
0xbd: {  	_ =	sfence.sel $0xFFFF  }
0xbe: {  	[dreg:$0x0] =	wrdreg $0xFFFFFFFF;
	(pc) =	sbr.abs _section_cstart, $3  }
0xbf: {  	[dreg:$0x1] =	wrdreg $0xFFFFFFFF  }
0xc0: {  	_ =	task.clear_ibuf [dreg:s6], $0x2FFFF;
	_ =	strace $0x9FFFFFFF  }
0xc1: {  	(tm) =	ssettm $0x7FFFFFFF  }
tec
execute0_lowered:
.L_overlay_start_1:
0x0: {  	(tag) =	ssettag $0x1  }
0x1: {  	s7 =	rddreg [dreg:$0x0];
	s1 =	simm.s32 $0x0  }
0x2: {  	s4 =	srdreg.scid;
	s2 =	stileid.u32;
	s11 =	simm.s32 $0x400  }
0x3: {  	s12 =	simm.s32 $0xC00;
	s13 =	simm.s32 $0x1400;
	s14 =	simm.s32 $0x1C00  }
0x4: {  	s15 =	simm.s32 $0x2400;
	s16 =	simm.s32 $0x2C00;
	s17 =	simm.s32 $0x3400  }
0x5: {  	s18 =	simm.s32 $0x3C00;
	s19 =	simm.s32 $0x4400;
	s20 =	simm.s32 $0x4C00  }
0x6: {  	s21 =	simm.s32 $0x5400;
	s22 =	simm.s32 $0x5C00;
	s23 =	simm.s32 $0x6400  }
0x7: {  	s24 =	simm.s32 $0x6C00;
	s25 =	simm.s32 $0x7400;
	s28 =	simm.s32 $0x1  }
0x8: {  	s29 =	simm.s32 $0x0;
	[smem:$0x7FF] =	sst s1;
	s3 =	sadd.s32 $0x212600, s7  }
0x9: {  	s6 =	sand.u32 $0x1, s4;
	s26 =	sshll.u32 s2, $0x8;
	s30 =	sshll.u32 s2, $0x10  }
0xa: {  	_ =	strace $0x8000004A;
	s5 =	sshll.u32 s6, $0x7;
	s8 =	ssub.s32 $0x2, s6  }
0xb: {  	s10 =	sadd.s32 s30, s7;
	s31 =	sshll.u32 s6, $0xF;
	s6 =	sadd.s32 $0x212800, s7  }
0xc: {  	s4 =	sor.u32 s5, s26;
	s9 =	sshrl.u32 s8, $0x1;
	s5 =	sadd.s32 $0x212700, s7  }
0xd: {  	v2 =	vlaneseq.u32;
	s26 =	simm.s32 $0x7C00;
	s4 =	sadd.s32 s4, s7;
	s8 =	ssub.s32 s8, s9  }
0xe: {  	vm0 =	vmmov $0xffff;
	v1 =	vshrl.u32 v2, $0x3;
	s7 =	sadd.s32 $0x212900, s7;
	s9 =	sadd.s32 s31, s10;
	s10 =	simm.s32 $0x2  }
0xf: {  	v0 =	vand.u32 $0x7, v2;
	v2 =	vor.u32 $0x8, v2;
	v1 =	vmul.u32 $0x8, v1;
	s4 =	sadd.s32 $0x11600, s4;
	s8 =	smax.u32 s8, $0x1;
	s9 =	sadd.s32 $0x12600, s9  }
.LBB2_1:
0x10: {  	[tilespmem:s1], [sflag:$0x2] =	stream.linear.gather [hbm4b:s4+s1], $0x400, $0x38;
	[tilespmem:$0x8400] =	vst v63  }
0x11: {  	_ =	swait.ge [sflag:s10], $0x400  }
0x12: {  	[sflag:s10] =	ssyncset.done $0x0  }
0x13: {  	s30 =	smov.u32 s9;
	s31 =	simm.s32 $0x0;
	[sflag:s10] =	ssyncadd.s32 $0xFFFFFC00  }
.LBB2_2:
0x14: {  	s0 =	sshra.s32 s31, $0x2  }
0x15: {  	v3 =	vld [tilespmem:s0+$0x0];
	_ =	sdelay $0x4  }
0x16: {  	v4 =	vshll.u32 v3, $0x3  }
0x17: {  	v3 =	vand.u32 $0x7, v3;
	v4 =	vand.u32 $0xFFFFFFC0, v4  }
0x18: {  	v3 =	vor.u32 v3, v4  }
0x19: {  	v4 =	vperm.xlane v3, v0;
	_ =	sdelay $0x1  }
0x1a: {  	v4 =	vadd.s32 v1, v4;
	_ =	sdelay $0x4  }
0x1b: {  	[tilespmem:s11], [sflag:$0x1] =	stream.indirect_vreg.gather [hbm4b:s3+s1], $0x80, v4, vm0, $0xb8;
	[tilespmem:$0x8400] =	vst v63  }
0x1c: {  	v3 =	vperm.xlane v3, v2  }
0x1d: {  	[tilespmem:s12], [sflag:$0x1] =	stream.indirect_vreg.gather [hbm4b:s5+s1], $0x80, v4, vm0, $0xb8;
	[tilespmem:$0x8400] =	vst v63  }
0x1e: {  	v3 =	vadd.s32 v1, v3  }
0x1f: {  	[tilespmem:s13], [sflag:$0x1] =	stream.indirect_vreg.gather [hbm4b:s6+s1], $0x80, v4, vm0, $0xb8;
	[tilespmem:$0x8400] =	vst v63  }
0x20: {  	_ = 	snop  }
0x21: {  	[tilespmem:s14], [sflag:$0x1] =	stream.indirect_vreg.gather [hbm4b:s7+s1], $0x80, v4, vm0, $0xb8;
	[tilespmem:$0x8400] =	vst v63  }
0x22: {  	_ = 	snop  }
0x23: {  	[tilespmem:s15], [sflag:$0x1] =	stream.indirect_vreg.gather [hbm4b:s3+s1], $0x80, v3, vm0, $0xb8;
	[tilespmem:$0x8400] =	vst v63  }
0x24: {  	_ = 	snop  }
0x25: {  	[tilespmem:s16], [sflag:$0x1] =	stream.indirect_vreg.gather [hbm4b:s5+s1], $0x80, v3, vm0, $0xb8;
	[tilespmem:$0x8400] =	vst v63  }
0x26: {  	_ = 	snop  }
0x27: {  	[tilespmem:s17], [sflag:$0x1] =	stream.indirect_vreg.gather [hbm4b:s6+s1], $0x80, v3, vm0, $0xb8;
	[tilespmem:$0x8400] =	vst v63  }
0x28: {  	_ = 	snop  }
0x29: {  	[tilespmem:s18], [sflag:$0x1] =	stream.indirect_vreg.gather [hbm4b:s7+s1], $0x80, v3, vm0, $0xb8;
	[tilespmem:$0x8400] =	vst v63  }
0x2a: {  	v3 =	vld [tilespmem:s0+$0x10];
	_ =	sdelay $0x4  }
0x2b: {  	v63 =	vshll.u32 v3, $0x3  }
0x2c: {  	v3 =	vand.u32 $0x7, v3;
	v4 =	vand.u32 $0xFFFFFFC0, v63  }
0x2d: {  	v3 =	vor.u32 v3, v4  }
0x2e: {  	v4 =	vperm.xlane v3, v0;
	_ =	sdelay $0x1  }
0x2f: {  	v4 =	vadd.s32 v1, v4;
	_ =	sdelay $0x4  }
0x30: {  	[tilespmem:s19], [sflag:$0x1] =	stream.indirect_vreg.gather [hbm4b:s3+s1], $0x80, v4, vm0, $0xb8;
	[tilespmem:$0x8400] =	vst v63  }
0x31: {  	v3 =	vperm.xlane v3, v2  }
0x32: {  	[tilespmem:s20], [sflag:$0x1] =	stream.indirect_vreg.gather [hbm4b:s5+s1], $0x80, v4, vm0, $0xb8;
	[tilespmem:$0x8400] =	vst v63  }
0x33: {  	v3 =	vadd.s32 v1, v3  }
0x34: {  	[tilespmem:s21], [sflag:$0x1] =	stream.indirect_vreg.gather [hbm4b:s6+s1], $0x80, v4, vm0, $0xb8;
	[tilespmem:$0x8400] =	vst v63  }
0x35: {  	_ = 	snop  }
0x36: {  	[tilespmem:s22], [sflag:$0x1] =	stream.indirect_vreg.gather [hbm4b:s7+s1], $0x80, v4, vm0, $0xb8;
	[tilespmem:$0x8400] =	vst v63  }
0x37: {  	_ = 	snop  }
0x38: {  	[tilespmem:s23], [sflag:$0x1] =	stream.indirect_vreg.gather [hbm4b:s3+s1], $0x80, v3, vm0, $0xb8;
	[tilespmem:$0x8400] =	vst v63  }
0x39: {  	_ = 	snop  }
0x3a: {  	[tilespmem:s24], [sflag:$0x1] =	stream.indirect_vreg.gather [hbm4b:s5+s1], $0x80, v3, vm0, $0xb8;
	[tilespmem:$0x8400] =	vst v63  }
0x3b: {  	_ = 	snop  }
0x3c: {  	[tilespmem:s25], [sflag:$0x1] =	stream.indirect_vreg.gather [hbm4b:s6+s1], $0x80, v3, vm0, $0xb8;
	[tilespmem:$0x8400] =	vst v63  }
0x3d: {  	_ = 	snop  }
0x3e: {  	[tilespmem:s26], [sflag:$0x1] =	stream.indirect_vreg.gather [hbm4b:s7+s1], $0x80, v3, vm0, $0xb8;
	[tilespmem:$0x8400] =	vst v63  }
0x3f: {  	_ =	swait.ge [sflag:s28], $0x8000  }
0x40: {  	p0 =	sne.s32 s31, $0xE00;
	[sflag:s28] =	ssyncset.done $0x0  }
.Ltmp0:
0x41: {  	[sflag:s28] =	ssyncadd.s32 $0xFFFF8000;
	(pc) =	sbr.rel @p0 .LBB2_2-.Ltmp0, $4  }
0x42: {  	[hbm4b:s30+s1] =	stream.linear.scatter [tilespmem:s11], [sflag:$0x2], $0x8000, $0x38;
	[tilespmem:$0x8400] =	vst v63  }
0x43: {  	_ =	swait.ge [sflag:s10], $0x8000  }
0x44: {  	[sflag:s10] =	ssyncset.done $0x0  }
0x45: {  	s31 =	sadd.s32 $0x200, s31;
	s30 =	sadd.s32 $0x1000, s30;
	[sflag:s10] =	ssyncadd.s32 $0xFFFF8000  }
0x46: {  	s29 =	sadd.s32 $0x1, s29  }
0x47: {  	p0 =	sne.s32 s29, s8  }
.Ltmp1:
0x48: {  	_ = 	snop;
	(pc) =	sbr.rel @p0 .LBB2_1-.Ltmp1, $1  }
0x49: {  	_ =	sdelay $0x3  }
0x4a: {  	_ =	sfence.sel $0x180000  }
0x4b: {  	[bflag:$0x0] =	sbarrier.arrive $0xFFFF  }
0x4c: {  	_ =	strace $0x9000004A  }
0x4d: {  	[bflag:$0x2] =	sbarrier.arrive $0xFFFF  }
0x4e: {  	p0 =	sne.s32 s2, $0x0;
	s0 =	rddreg [dreg:$0x1]  }
0x4f: {  	s0 =	sadd.s32 @!p0 $0x100000, s0  }
0x50: {  	[sflag:s0] =	ssyncadd.tile.s32 @!p0 $0x1;
	_ =	shalt  }
.Lfunc_end2:
_tile_overlayer_lowered:
.L_overlay_start_2:
0x51: {  	(tag) =	ssettag $0x2  }
0x52: {  	s0 =	rddreg [dreg:$0x0];
	s2 =	stileid.u32  }
0x53: {  	s1 =	rddreg [dreg:$0x1];
	p0 =	sne.s32 s2, $0x0  }
0x54: {  	s3 =	rddreg [dreg:$0x2];
	[bflag:$0x3] =	sbarrier.arrive $0xFFFF;
	s2 =	simm.s32 @!p0 $0x1C02  }
0x55: {  	[timem:s3], [sflag:s2] =	dma.local @!p0 [hbm:s0], s1  }
0x56: {  	s0 =	simm.s32 @!p0 $0x2  }
0x57: {  	_ =	swait.ge @!p0 [sflag:s0], s1  }
0x58: {  	s1 =	ssub.s32 @!p0 $0x0, s1;
	[sflag:s0] =	ssyncset.done @!p0 $0x0  }
0x59: {  	[sflag:s0] =	ssyncadd.s32 @!p0 s1  }
0x5a: {  	[bflag:$0x3] =	sbarrier.arrive $0xFFFF  }
0x5b: {  	_ =	shalt  }

// kernel: kernel.8.cloned.1.call-start
scs
__scs_entry_jumppad:
0x0: {  	(pc) =	sbr.rel $0x88, $3  }
0x1: {  	(tag) =	ssettag $0x0;
	lr =	simm.s32 $0x1  }
0x2: {  	[smem:$0x3F99] =	sst lr;
	_ =	strace $0xD0000000  }
0x3: {  	_ = 	snop  }
0x4: {  	_ = 	snop  }
0x5: {  	_ = 	snop  }
0x6: {  	_ = 	snop  }
0x7: {  	_ = 	snop  }
__scs_overlays_trampoline_lowered:
0x8: {  	[smem:$0x3FA8] =	sst s0  }
0x9: {  	[smem:$0x3FA9] =	sst s1  }
0xa: {  	[smem:$0x3FAA] =	sst s2  }
0xb: {  	[smem:$0x3FAB] =	sst s3  }
0xc: {  	[smem:$0x3FAC] =	sst s4  }
0xd: {  	[smem:$0x3FAD] =	sst s5  }
0xe: {  	[smem:$0x3FAE] =	sst s6  }
0xf: {  	[smem:$0x3FAF] =	sst s7  }
0x10: {  	[smem:$0x3FB0] =	sst s8  }
0x11: {  	[smem:$0x3FB1] =	sst s9;
	s0 =	simm.s32 @!p0 $0x0  }
0x12: {  	s1 =	sld [smem:$0x3F97];
	s0 =	simm.s32 @p0 $0x1  }
0x13: {  	[smem:$0x3FB2] =	sst s0;
	s0 =	simm.s32 @!p1 $0x0  }
0x14: {  	s2 =	sld [smem:$0x3F96];
	s0 =	simm.s32 @p1 $0x1  }
0x15: {  	[smem:$0x3FB3] =	sst s0;
	s0 =	simm.s32 @!p2 $0x0  }
0x16: {  	s3 =	sld [smem:$0x3FDB];
	s0 =	simm.s32 @p2 $0x1  }
0x17: {  	s4 =	simm.s32 $0x1BF5;
	[smem:$0x3FB5] =	sst s0  }
0x18: {  	s0 =	sld [smem:$0x3F98];
	_ =	swait.ge [sflag:s4], $0x0  }
0x19: {  	s7 =	sld [smem:$0x3F99]  }
0x1a: {  	s8 =	sadd.s32 $0xFFFFE003, lr  }
0x1b: {  	s9 =	sadd.s32 $0xFFFFFEF7, lr;
	s5 =	simm.s32 $0xFFFFFFFF;
	p2 =	slt.u32 s8, $0xFFFFF086  }
0x1c: {  	p1 =	slt.u32 s9, $0xF7A;
	s5 =	simm.s32 @!p2 $0x0  }
0x1d: {  	s5 =	simm.s32 @p1 $0x1;
	p0 =	seq.s32 s7, s2  }
0x1e: {  	s7 =	smul.u32 @!p0 $0xF7A, s2;
	p2 =	seq.s32 @!p0 s5, $0x0  }
0x1f: {  	s9 =	smul.u32 $0xF7A, s1;
	s8 =	simm.s32 @!p0 $0x1BF5;
	p2 =	por !p2, p0  }
0x20: {  	[sflag:s8] =	ssyncset.s32 @!p0 $0xFFFFF086;
	s6 =	sadd.s32 @!p0 s3, s7;
	s7 =	simm.s32 @!p0 $0x108  }
0x21: {  	s3 =	sadd.s32 s3, s9;
	s6 =	sadd.s32 @!p0 $0x88, s6;
	s7 =	simm.s32 @p2 $0x1082  }
0x22: {  	[simem:s7], [sflag:s8] =	dma.local @!p0 [hbm:s6], $0xF7A  }
0x23: {  	s9 =	sor.u32 $0xD0000000, s2;
	s6 =	simm.s32 $0x108;
	_ =	swait.ge @!p0 [sflag:s8], $0x0  }
0x24: {  	s3 =	sadd.s32 $0x88, s3;
	s6 =	simm.s32 @!p1 $0x1082;
	[sflag:s4] =	ssyncset.s32 $0xFFFFF086  }
0x25: {  	[simem:s6], [sflag:s4] =	dma.local [hbm:s3], $0xF7A  }
0x26: {  	[smem:$0x3F99] =	sst s1;
	(tag) =	ssettag s2;
	_ =	strace s9  }
0x27: {  	s1 =	sld [smem:$0x3FA9]  }
0x28: {  	s2 =	sld [smem:$0x3FAA]  }
0x29: {  	s4 =	sld [smem:$0x3FAC]  }
0x2a: {  	p0 =	seq.s32 s5, $0x0;
	s5 =	sld [smem:$0x3FAD]  }
0x2b: {  	s6 =	sld [smem:$0x3FAE]  }
0x2c: {  	s7 =	sld [smem:$0x3FAF]  }
0x2d: {  	s3 =	simm.s32 $0x108;
	s8 =	sld [smem:$0x3FB0]  }
0x2e: {  	s3 =	simm.s32 @!p0 $0x1082;
	s9 =	sld [smem:$0x3FB1]  }
0x2f: {  	lr =	sadd.s32 s0, s3;
	s0 =	sld [smem:$0x3FA8]  }
0x30: {  	s3 =	sld [smem:$0x3FAB]  }
0x31: {  	[smem:$0x3FB4] =	sst s10  }
0x32: {  	s10 =	sld [smem:$0x3FB2];
	_ =	sdelay $0x3  }
0x33: {  	p0 =	seq.s32 s10, $0x1;
	s10 =	sld [smem:$0x3FB4];
	_ =	sdelay $0x3  }
0x34: {  	[smem:$0x3FB4] =	sst s10  }
0x35: {  	s10 =	sld [smem:$0x3FB3];
	_ =	sdelay $0x3  }
0x36: {  	p1 =	seq.s32 s10, $0x1;
	s10 =	sld [smem:$0x3FB4];
	_ =	sdelay $0x3  }
0x37: {  	[smem:$0x3FB4] =	sst s10  }
0x38: {  	s10 =	sld [smem:$0x3FB5]  }
0x39: {  	_ = 	snop;
	(pc) =	sbr.ind lr, $3  }
0x3a: {  	_ = 	snop  }
0x3b: {  	_ = 	snop  }
0x3c: {  	p2 =	seq.s32 s10, $0x1;
	s10 =	sld [smem:$0x3FB4]  }
0x3d: {  	_ =	shalt  }
0x3e: {  	_ =	shalt  }
0x3f: {  	_ =	shalt  }
0x40: {  	_ =	shalt  }
0x41: {  	_ =	shalt  }
0x42: {  	_ =	shalt  }
0x43: {  	_ =	shalt  }
0x44: {  	_ =	shalt  }
0x45: {  	_ =	shalt  }
0x46: {  	_ =	shalt  }
0x47: {  	_ =	shalt  }
0x48: {  	_ =	shalt  }
0x49: {  	_ =	shalt  }
0x4a: {  	_ =	shalt  }
0x4b: {  	_ =	shalt  }
0x4c: {  	_ =	shalt  }
0x4d: {  	_ =	shalt  }
0x4e: {  	_ =	shalt  }
0x4f: {  	_ =	shalt  }
0x50: {  	_ =	shalt  }
0x51: {  	_ =	shalt  }
0x52: {  	_ =	shalt  }
0x53: {  	_ =	shalt  }
0x54: {  	_ =	shalt  }
0x55: {  	_ =	shalt  }
0x56: {  	_ =	shalt  }
0x57: {  	_ =	shalt  }
0x58: {  	_ =	shalt  }
0x59: {  	_ =	shalt  }
0x5a: {  	_ =	shalt  }
0x5b: {  	_ =	shalt  }
0x5c: {  	_ =	shalt  }
0x5d: {  	_ =	shalt  }
0x5e: {  	_ =	shalt  }
0x5f: {  	_ =	shalt  }
0x60: {  	_ =	shalt  }
0x61: {  	_ =	shalt  }
0x62: {  	_ =	shalt  }
0x63: {  	_ =	shalt  }
0x64: {  	_ =	shalt  }
0x65: {  	_ =	shalt  }
0x66: {  	_ =	shalt  }
0x67: {  	_ =	shalt  }
0x68: {  	_ =	shalt  }
0x69: {  	_ =	shalt  }
0x6a: {  	_ =	shalt  }
0x6b: {  	_ =	shalt  }
0x6c: {  	_ =	shalt  }
0x6d: {  	_ =	shalt  }
0x6e: {  	_ =	shalt  }
0x6f: {  	_ =	shalt  }
0x70: {  	_ =	shalt  }
0x71: {  	_ =	shalt  }
0x72: {  	_ =	shalt  }
0x73: {  	_ =	shalt  }
0x74: {  	_ =	shalt  }
0x75: {  	_ =	shalt  }
0x76: {  	_ =	shalt  }
0x77: {  	_ =	shalt  }
0x78: {  	_ =	shalt  }
0x79: {  	_ =	shalt  }
0x7a: {  	_ =	shalt  }
0x7b: {  	_ =	shalt  }
0x7c: {  	_ =	shalt  }
0x7d: {  	_ =	shalt  }
0x7e: {  	_ =	shalt  }
0x7f: {  	_ =	shalt  }
0x80: {  	_ =	shalt  }
0x81: {  	_ =	shalt  }
0x82: {  	_ =	shalt  }
0x83: {  	_ =	shalt  }
0x84: {  	_ =	shalt  }
0x85: {  	_ =	shalt  }
0x86: {  	_ =	shalt  }
0x87: {  	_ =	shalt  }
.Lfunc_end0:
.L_simem_size_0:
called_computation_lowered:
.L_overlay_start_0:
0x88: {  	s2 =	sld [smem:$0x3FD9]  }
0x89: {  	s3 =	sld [smem:$0x3FFE];
	_ =	sdelay $0x1  }
0x8a: {  	s1 =	srdreg.scid  }
0x8b: {  	s0 =	sand.u32 $0x1, s1  }
0x8c: {  	s17 =	sshll.u32 s0, $0xA;
	s2 =	sadd.s32 s3, s2  }
0x8d: {  	s2 =	sadd.s32 s2, s17  }
0x8e: {  	[smem:$0x3FC0] =	sst s2  }
0x8f: {  	_ = 	snop  }
0x90: {  	s2 =	sld [smem:$0x3FC9];
	(tm) =	ssettm $0x1  }
0x91: {  	s18 =	sld [smem:$0x3FFB];
	_ =	sdelay $0x3  }
0x92: {  	_ =	strace s18  }
0x93: {  	s3 =	sld [smem:$0x3FFC];
	_ =	sdelay $0x3  }
0x94: {  	_ =	strace s3  }
0x95: {  	s3 =	sld [smem:$0x3FFD];
	_ =	sdelay $0x3  }
0x96: {  	_ =	strace s3  }
0x97: {  	_ =	strace $0x8FFFFFFF  }
0x98: {  	s19 =	sld [smem:$0x3FDB];
	_ =	sdelay $0x1  }
0x99: {  	s4 =	simm.s32 $_scs_section_size  }
0x9a: {  	s5 =	simm.s32 $_size__tile_overlayer_lowered;
	s6 =	simm.s32 $_tile_overlayer_lowered  }
0x9b: {  	s22 =	simm.s32 $0x1BFF;
	s21 =	sshll.u32 s6, $0x1;
	s3 =	sadd.s32 s4, s19  }
0x9c: {  	s7 =	simm.s32 $0x0;
	s20 =	sshll.u32 s5, $0x1;
	s5 =	sadd.s32 s21, s3  }
0x9d: {  	[timem:s7], [sflag:s22] =	dma.local [hbm:s5], s20  }
0x9e: {  	_ =	swait.ge [sflag:s22], s20  }
0x9f: {  	s4 =	ssub.s32 $0x0, s20;
	[sflag:s22] =	ssyncset.done $0x0  }
0xa0: {  	[sflag:s22] =	ssyncadd.s32 s4;
	_ =	sdelay $0x1  }
0xa1: {  	s23 =	simm.s32 $0x1B8B  }
0xa2: {  	_ =	swait.ge [sflag:s23], $0x1  }
0xa3: {  	[sflag:s23] =	ssyncset.done $0x0  }
0xa4: {  	s25 =	simm.s32 $0x1B8E;
	s24 =	sld [smem:$0x3FFE];
	[sflag:s23] =	ssyncadd.s32 $0xFFFFFFFF  }
0xa5: {  	s26 =	simm.s32 $execute0_lowered;
	[smem:$0x3FD2] =	sst s25  }
0xa6: {  	s5 =	sshll.u32 s26, $0x1;
	_ =	strace $0x80000046;
	[dreg:$0x1] =	wrdreg $0xFFFFFFFF  }
0xa7: {  	s28 =	simm.s32 $_size_execute0_lowered;
	s3 =	sadd.s32 s3, s5;
	[dreg:$0x0] =	wrdreg $0x0  }
0xa8: {  	s5 =	sshll.u32 s28, $0x1;
	[dreg:$0x2] =	wrdreg s3  }
0xa9: {  	[dreg:$0x3] =	wrdreg s5  }
0xaa: {  	[dreg:$0x4] =	wrdreg $0xC0  }
0xab: {  	_ =	task [dreg:s7], $0x5FFFF  }
0xac: {  	[dreg:$0x1] =	wrdreg $0xFFFFFFFF  }
0xad: {  	[dreg:$0x0] =	wrdreg $0x60  }
0xae: {  	[dreg:$0x2] =	wrdreg s2  }
0xaf: {  	[dreg:$0x3] =	wrdreg s24  }
0xb0: {  	[dreg:$0x4] =	wrdreg $0x9  }
0xb1: {  	_ =	task.clear_ibuf [dreg:s7], $0x5FFFF;
	_ =	strace $0x90000046  }
0xb2: {  	s29 =	simm.s32 $0x9;
	_ =	strace $0x80000048  }
0xb3: {  	_ =	swait.ge [sflag:s29], $0x1  }
0xb4: {  	[sflag:s29] =	ssyncadd.s32 $0xFFFFFFFF  }
0xb5: {  	_ =	strace $0x90000048  }
0xb6: {  	_ =	sfence  }
0xb7: {  	s30 =	sld [smem:$0x0];
	_ =	sdelay $0x2  }
0xb8: {  	s31 =	sshll.u32 s1, $0xD;
	s1 =	sshrl.u32 s1, $0x2  }
0xb9: {  	s3 =	sand.u32 $0x4000, s31;
	s1 =	sadd.s32 s1, s30  }
0xba: {  	s0 =	sor.u32 s3, s0;
	s1 =	sshll.u32 s1, $0x11  }
0xbb: {  	s0 =	sor.u32 s1, s0  }
0xbc: {  	s0 =	sadd.s32 $0x8F2B, s0  }
0xbd: {  	[sflag:s0] =	ssyncadd.remote.s32 $0x1  }
0xbe: {  	_ =	sfence.sel $0xFFFF  }
0xbf: {  	[dreg:$0x0] =	wrdreg $0xFFFFFFFF;
	(pc) =	sbr.abs _section_cstart, $3  }
0xc0: {  	[dreg:$0x1] =	wrdreg $0xFFFFFFFF  }
0xc1: {  	_ =	task.clear_ibuf [dreg:s7], $0x2FFFF;
	_ =	strace $0x9FFFFFFF  }
0xc2: {  	(tm) =	ssettm $0x7FFFFFFF  }
0xc3: {  	_ =	shalt  }
tec
execute0_lowered:
.L_overlay_start_1:
0x0: {  	(tag) =	ssettag $0x1  }
0x1: {  	s9 =	rddreg [dreg:$0x0]  }
0x2: {  	s7 =	rddreg [dreg:$0x1];
	s3 =	srdreg.scid  }
0x3: {  	s2 =	simm.s32 $0x0;
	s1 =	stileid.u32;
	s12 =	simm.s32 $0xC00  }
0x4: {  	s13 =	simm.s32 $0x1400;
	s14 =	simm.s32 $0x1C00;
	s15 =	simm.s32 $0x2400  }
0x5: {  	s16 =	simm.s32 $0x2C00;
	s17 =	simm.s32 $0x3400;
	s18 =	simm.s32 $0x3C00  }
0x6: {  	s19 =	simm.s32 $0x4400;
	s20 =	simm.s32 $0x4C00;
	s21 =	simm.s32 $0x5400  }
0x7: {  	s22 =	simm.s32 $0x5C00;
	s23 =	simm.s32 $0x6400;
	s24 =	simm.s32 $0x6C00  }
0x8: {  	s25 =	simm.s32 $0x7400;
	s26 =	simm.s32 $0x7C00;
	s28 =	simm.s32 $0x1  }
0x9: {  	s29 =	simm.s32 $0x0;
	s4 =	sand.u32 $0x1, s3;
	[smem:$0x7FF] =	sst s2  }
0xa: {  	s30 =	sshll.u32 s1, $0x8;
	s10 =	sshll.u32 s1, $0x10;
	s5 =	sshll.u32 s4, $0x7  }
0xb: {  	_ =	strace $0x80000047;
	s31 =	ssub.s32 $0x2, s4;
	s11 =	sshll.u32 s4, $0xF  }
0xc: {  	s3 =	sor.u32 s5, s30;
	s8 =	sshrl.u32 s31, $0x1;
	s5 =	sadd.s32 $0x12700, s7  }
0xd: {  	s10 =	sor.u32 s11, s10;
	s11 =	simm.s32 $0x400;
	s6 =	sadd.s32 s3, s7  }
0xe: {  	v2 =	vlaneseq.u32;
	s3 =	sadd.s32 $0x12600, s7;
	s8 =	ssub.s32 s31, s8;
	s10 =	sand.u32 $0x78000, s10  }
0xf: {  	vm0 =	vmmov $0xffff;
	v1 =	vshrl.u32 v2, $0x3;
	s4 =	sadd.s32 $0x11600, s6;
	s6 =	sadd.s32 $0x12800, s7;
	s7 =	sadd.s32 $0x12900, s7  }
0x10: {  	v0 =	vand.u32 $0x7, v2;
	v2 =	vor.u32 $0x8, v2;
	v1 =	vmul.u32 $0x8, v1;
	s8 =	smax.u32 s8, $0x1;
	s9 =	sadd.s32 s10, s9;
	s10 =	simm.s32 $0x2  }
.LBB2_1:
0x11: {  	[tilespmem:s2], [sflag:$0x2] =	stream.linear.gather [hbm4b:s4+s2], $0x400, $0x38;
	[tilespmem:$0x8400] =	vst v63  }
0x12: {  	_ =	swait.ge [sflag:s10], $0x400  }
0x13: {  	[sflag:s10] =	ssyncset.done $0x0  }
0x14: {  	s30 =	smov.u32 s9;
	s31 =	simm.s32 $0x0;
	[sflag:s10] =	ssyncadd.s32 $0xFFFFFC00  }
.LBB2_2:
0x15: {  	[tilespmem:s11], [sflag:$0x2] =	stream.linear.gather [hbm4b:s30+s2], $0x8000, $0x38;
	[tilespmem:$0x8400] =	vst v63  }
0x16: {  	_ =	swait.ge [sflag:s10], $0x8000  }
0x17: {  	[sflag:s10] =	ssyncset.done $0x0  }
0x18: {  	s0 =	sshra.s32 s31, $0x2;
	[sflag:s10] =	ssyncadd.s32 $0xFFFF8000  }
0x19: {  	v3 =	vld [tilespmem:s0+$0x0];
	_ =	sdelay $0x4  }
0x1a: {  	v4 =	vshll.u32 v3, $0x3  }
0x1b: {  	v3 =	vand.u32 $0x7, v3;
	v4 =	vand.u32 $0xFFFFFFC0, v4  }
0x1c: {  	v3 =	vor.u32 v3, v4  }
0x1d: {  	v4 =	vperm.xlane v3, v0;
	_ =	sdelay $0x1  }
0x1e: {  	v4 =	vadd.s32 v1, v4;
	_ =	sdelay $0x4  }
0x1f: {  	[hbm4b:s3+s2] =	stream.indirect_vreg.scatter [tilespmem:s11], [sflag:$0x1], $0x80, v4, vm0, $0xb8;
	[tilespmem:$0x8400] =	vst v63  }
0x20: {  	v3 =	vperm.xlane v3, v2  }
0x21: {  	[hbm4b:s5+s2] =	stream.indirect_vreg.scatter [tilespmem:s12], [sflag:$0x1], $0x80, v4, vm0, $0xb8;
	[tilespmem:$0x8400] =	vst v63  }
0x22: {  	v3 =	vadd.s32 v1, v3  }
0x23: {  	[hbm4b:s6+s2] =	stream.indirect_vreg.scatter [tilespmem:s13], [sflag:$0x1], $0x80, v4, vm0, $0xb8;
	[tilespmem:$0x8400] =	vst v63  }
0x24: {  	_ = 	snop  }
0x25: {  	[hbm4b:s7+s2] =	stream.indirect_vreg.scatter [tilespmem:s14], [sflag:$0x1], $0x80, v4, vm0, $0xb8;
	[tilespmem:$0x8400] =	vst v63  }
0x26: {  	_ = 	snop  }
0x27: {  	[hbm4b:s3+s2] =	stream.indirect_vreg.scatter [tilespmem:s15], [sflag:$0x1], $0x80, v3, vm0, $0xb8;
	[tilespmem:$0x8400] =	vst v63  }
0x28: {  	_ = 	snop  }
0x29: {  	[hbm4b:s5+s2] =	stream.indirect_vreg.scatter [tilespmem:s16], [sflag:$0x1], $0x80, v3, vm0, $0xb8;
	[tilespmem:$0x8400] =	vst v63  }
0x2a: {  	_ = 	snop  }
0x2b: {  	[hbm4b:s6+s2] =	stream.indirect_vreg.scatter [tilespmem:s17], [sflag:$0x1], $0x80, v3, vm0, $0xb8;
	[tilespmem:$0x8400] =	vst v63  }
0x2c: {  	_ = 	snop  }
0x2d: {  	[hbm4b:s7+s2] =	stream.indirect_vreg.scatter [tilespmem:s18], [sflag:$0x1], $0x80, v3, vm0, $0xb8;
	[tilespmem:$0x8400] =	vst v63  }
0x2e: {  	v3 =	vld [tilespmem:s0+$0x10];
	_ =	sdelay $0x4  }
0x2f: {  	v63 =	vshll.u32 v3, $0x3  }
0x30: {  	v3 =	vand.u32 $0x7, v3;
	v4 =	vand.u32 $0xFFFFFFC0, v63  }
0x31: {  	v3 =	vor.u32 v3, v4  }
0x32: {  	v4 =	vperm.xlane v3, v0;
	_ =	sdelay $0x1  }
0x33: {  	v4 =	vadd.s32 v1, v4;
	_ =	sdelay $0x4  }
0x34: {  	[hbm4b:s3+s2] =	stream.indirect_vreg.scatter [tilespmem:s19], [sflag:$0x1], $0x80, v4, vm0, $0xb8;
	[tilespmem:$0x8400] =	vst v63  }
0x35: {  	v3 =	vperm.xlane v3, v2  }
0x36: {  	[hbm4b:s5+s2] =	stream.indirect_vreg.scatter [tilespmem:s20], [sflag:$0x1], $0x80, v4, vm0, $0xb8;
	[tilespmem:$0x8400] =	vst v63  }
0x37: {  	v3 =	vadd.s32 v1, v3  }
0x38: {  	[hbm4b:s6+s2] =	stream.indirect_vreg.scatter [tilespmem:s21], [sflag:$0x1], $0x80, v4, vm0, $0xb8;
	[tilespmem:$0x8400] =	vst v63  }
0x39: {  	_ = 	snop  }
0x3a: {  	[hbm4b:s7+s2] =	stream.indirect_vreg.scatter [tilespmem:s22], [sflag:$0x1], $0x80, v4, vm0, $0xb8;
	[tilespmem:$0x8400] =	vst v63  }
0x3b: {  	_ = 	snop  }
0x3c: {  	[hbm4b:s3+s2] =	stream.indirect_vreg.scatter [tilespmem:s23], [sflag:$0x1], $0x80, v3, vm0, $0xb8;
	[tilespmem:$0x8400] =	vst v63  }
0x3d: {  	_ = 	snop  }
0x3e: {  	[hbm4b:s5+s2] =	stream.indirect_vreg.scatter [tilespmem:s24], [sflag:$0x1], $0x80, v3, vm0, $0xb8;
	[tilespmem:$0x8400] =	vst v63  }
0x3f: {  	p0 =	sne.s32 s31, $0xE00  }
0x40: {  	[hbm4b:s6+s2] =	stream.indirect_vreg.scatter [tilespmem:s25], [sflag:$0x1], $0x80, v3, vm0, $0xb8;
	[tilespmem:$0x8400] =	vst v63  }
.Ltmp0:
0x41: {  	_ = 	snop;
	(pc) =	sbr.rel @p0 .LBB2_2-.Ltmp0, $4  }
0x42: {  	[hbm4b:s7+s2] =	stream.indirect_vreg.scatter [tilespmem:s26], [sflag:$0x1], $0x80, v3, vm0, $0xb8;
	[tilespmem:$0x8400] =	vst v63  }
0x43: {  	_ =	swait.ge [sflag:s28], $0x8000  }
0x44: {  	[sflag:s28] =	ssyncset.done $0x0  }
0x45: {  	s30 =	sadd.s32 $0x1000, s30;
	s31 =	sadd.s32 $0x200, s31;
	[sflag:s28] =	ssyncadd.s32 $0xFFFF8000  }
0x46: {  	s29 =	sadd.s32 $0x1, s29  }
0x47: {  	p0 =	sne.s32 s29, s8  }
.Ltmp1:
0x48: {  	_ = 	snop;
	(pc) =	sbr.rel @p0 .LBB2_1-.Ltmp1, $1  }
0x49: {  	_ =	sdelay $0x3  }
0x4a: {  	_ =	sfence.sel $0x180000  }
0x4b: {  	[bflag:$0x0] =	sbarrier.arrive $0xFFFF  }
0x4c: {  	_ =	strace $0x90000047  }
0x4d: {  	[bflag:$0x2] =	sbarrier.arrive $0xFFFF  }
0x4e: {  	p0 =	sne.s32 s1, $0x0;
	s0 =	rddreg [dreg:$0x2]  }
0x4f: {  	s0 =	sadd.s32 @!p0 $0x100000, s0  }
0x50: {  	[sflag:s0] =	ssyncadd.tile.s32 @!p0 $0x1;
	_ =	shalt  }
.Lfunc_end2:
_tile_overlayer_lowered:
.L_overlay_start_2:
0x51: {  	(tag) =	ssettag $0x2  }
0x52: {  	s0 =	rddreg [dreg:$0x0];
	s2 =	stileid.u32  }
0x53: {  	s1 =	rddreg [dreg:$0x1];
	p0 =	sne.s32 s2, $0x0  }
0x54: {  	s3 =	rddreg [dreg:$0x2];
	[bflag:$0x3] =	sbarrier.arrive $0xFFFF;
	s2 =	simm.s32 @!p0 $0x1C02  }
0x55: {  	[timem:s3], [sflag:s2] =	dma.local @!p0 [hbm:s0], s1  }
0x56: {  	s0 =	simm.s32 @!p0 $0x2  }
0x57: {  	_ =	swait.ge @!p0 [sflag:s0], s1  }
0x58: {  	s1 =	ssub.s32 @!p0 $0x0, s1;
	[sflag:s0] =	ssyncset.done @!p0 $0x0  }
0x59: {  	[sflag:s0] =	ssyncadd.s32 @!p0 s1  }
0x5a: {  	[bflag:$0x3] =	sbarrier.arrive $0xFFFF  }
0x5b: {  	_ =	shalt  }

</sc_bundles>
